<compile_context>
chip_gen: v7x
topology: tpu7x:2x2x1
jax: 0.10.2.dev20260603
libtpu: 0.0.44.dev20260713+nightly
codegen_flags: <defaults>
</compile_context>

<pallas_src>
import functools

import jax
import jax.numpy as jnp
from jax import lax
from jax.experimental import pallas as pl
from jax.experimental.pallas import tpu as pltpu
from jax.experimental.pallas import tpu_sc as plsc

_VOCAB = 100000
_D = 128
_SCALE = float(_D) ** 0.5

_NC = 2
_NS = 16
_NW = _NC * _NS

_B = 4096 * 200
_BPW = _B // _NW
_C = 128
_NCHUNK = _BPW // _C
_NBUF = 4
_LOOK = 2
_NR = _NCHUNK // _NBUF

_ROW_BLK = 10000


def _scale_body(lut_ref, out_ref):
    out_ref[...] = lut_ref[...] * _SCALE


def _scale_lut(lut):
    return pl.pallas_call(
        _scale_body,
        out_shape=jax.ShapeDtypeStruct(lut.shape, lut.dtype),
        grid=(_VOCAB // _ROW_BLK,),
        in_specs=[pl.BlockSpec((_ROW_BLK, _D), lambda i: (i, 0))],
        out_specs=pl.BlockSpec((_ROW_BLK, _D), lambda i: (i, 0)),
    )(lut)


def _gather_body(idx_hbm, table_hbm, out_hbm, idx_v, bufs, gsem, ssem):
    wid = lax.axis_index("s") * _NC + lax.axis_index("c")
    base = wid * _BPW
    pltpu.sync_copy(idx_hbm.at[wid], idx_v)

    def g_start(j, b):
        pltpu.async_copy(table_hbm.at[idx_v.at[j]], bufs.at[b], gsem.at[b])

    def g_wait(b):
        pltpu.make_async_copy(
            table_hbm.at[idx_v.at[0]], bufs.at[b], gsem.at[b]
        ).wait()

    def s_start(j, b):
        pltpu.async_copy(
            bufs.at[b], out_hbm.at[pl.ds(base + j * _C, _C)], ssem.at[b]
        )

    def s_wait(b):
        pltpu.make_async_copy(
            bufs.at[b], out_hbm.at[pl.ds(base, _C)], ssem.at[b]
        ).wait()

    for b in range(_LOOK):
        g_start(b, b)

    for b in range(_NBUF):
        nb = (b + _LOOK) % _NBUF
        if b >= _LOOK:
            s_wait(nb)
        g_start(b + _LOOK, nb)
        g_wait(b)
        s_start(b, b)

    def round_body(r, carry):
        j0 = r * _NBUF
        for b in range(_NBUF):
            nb = (b + _LOOK) % _NBUF
            s_wait(nb)
            g_start(j0 + b + _LOOK, nb)
            g_wait(b)
            s_start(j0 + b, b)
        return carry

    lax.fori_loop(1, _NR - 1, round_body, 0)

    j0 = (_NR - 1) * _NBUF
    for b in range(_NBUF):
        nb = (b + _LOOK) % _NBUF
        if b < _LOOK:
            s_wait(nb)
            g_start(j0 + b + _LOOK, nb)
        g_wait(b)
        s_start(j0 + b, b)

    for b in range(_NBUF):
        s_wait(b)


_gather = functools.partial(
    pl.kernel,
    mesh=plsc.VectorSubcoreMesh(core_axis_name="c", subcore_axis_name="s"),
    out_type=jax.ShapeDtypeStruct((_B, _D), jnp.float32),
    scratch_types=[
        pltpu.VMEM((_NCHUNK, _C), jnp.int32),
        pltpu.VMEM((_NBUF, _C, _D), jnp.float32),
        pltpu.SemaphoreType.DMA((_NBUF,)),
        pltpu.SemaphoreType.DMA((_NBUF,)),
    ],
)(_gather_body)


def kernel(tokens, lut):
    scaled = _scale_lut(lut)
    idx = tokens.reshape(_NW, _NCHUNK, _C).astype(jnp.int32)
    out = _gather(idx, scaled)
    return out.reshape(tokens.shape[0], tokens.shape[1], _D)

# --- scband reference (transcript-rebuilt; emitter-appended) ---
"""Pipeline reference for scband-token-embeddings-17617955848579 (READ-ONLY COPY).

The authoritative reference and input builder live on the scoring server;
editing this copy changes nothing except your own understanding.
"""

import jax, jax.numpy as jnp
import numpy as np

VOCAB_SIZE = 100000
HIDDEN_SIZE = 128


def setup_inputs(seed: int = 0) -> dict:
    key = jax.random.key(seed)
    k_tok, k_lut = jax.random.split(key)
    tokens = jax.random.randint(k_tok, (4096, 200), 0, VOCAB_SIZE, dtype=jnp.int64 if jax.config.jax_enable_x64 else jnp.int32)
    lut = jax.random.normal(k_lut, (VOCAB_SIZE, HIDDEN_SIZE), dtype=jnp.float32)
    return {"tokens": tokens, "lut": lut}


def reference(tokens, lut):
    # TokenEmbeddings.forward: self.lut(tokens) * self.scaling
    scaling = HIDDEN_SIZE ** 0.5
    emb = jnp.take(lut, tokens, axis=0)  # gather -> SparseCore embedding lookup
    return emb * scaling

if __name__ == "__main__":
    import jax
    _d = setup_inputs()
    print(jax.jit(kernel)(*tuple(_d.values())))

</pallas_src>

<mosaic_0001>
#map = affine_map<(d0, d1) -> (0, 0, 0)>
#map1 = affine_map<(d0, d1) -> (0, 0)>
module attributes {stable_mosaic.version = 14 : i64} {
  func.func @_gather_body(%arg0: i32, %arg1: i32, %arg2: memref<32x200x128xi32, #tpu.memory_space<hbm>>, %arg3: memref<100000x128xf32, #tpu.memory_space<hbm>>, %arg4: memref<819200x128xf32, #tpu.memory_space<hbm>>, %arg5: memref<200x128xi32, #tpu.memory_space<vmem>>, %arg6: memref<4x128x128xf32, #tpu.memory_space<vmem>>, %arg7: memref<4x!tpu.dma_semaphore, #tpu.memory_space<semaphore_mem>>, %arg8: memref<4x!tpu.dma_semaphore, #tpu.memory_space<semaphore_mem>>) attributes {dimension_semantics = [#tpu.dimension_semantics<core_parallel>, #tpu.dimension_semantics<subcore_parallel>], iteration_bounds = array<i64: 2, 16>, scalar_prefetch = 0 : i64, scratch_operands = 4 : i64, tpu.core_type = #tpu.core_type<sc_vector_subcore>, window_params = [{transform_indices = #map}, {transform_indices = #map1}, {transform_indices = #map1}]} {
    %mul3A = arith.constant 2 : i32
    %mul3A_0 = arith.muli %arg1, %mul3A : i32
    %add3A = arith.addi %mul3A_0, %arg0 : i32
    %mul3A_1 = arith.constant 25600 : i32
    %mul3A_2 = arith.muli %add3A, %mul3A_1 : i32
    "tpu.region"() ({
      %run_scoped3A = tpu.sem_alloc : memref<!tpu.dma_semaphore, #tpu.memory_space<semaphore_mem>>
      %dma_start3A_518 = arith.constant 0 : i32
      %dma_start3A_519 = arith.constant 0 : i32
      %dma_start3A_520 = tpu.memref_slice %arg2[%add3A, %dma_start3A_518, %dma_start3A_519] : memref<32x200x128xi32, #tpu.memory_space<hbm>> -> memref<1x200x128xi32, #tpu.memory_space<hbm>>
      %dma_start3A_521 = tpu.memref_squeeze %dma_start3A_520 : memref<1x200x128xi32, #tpu.memory_space<hbm>> -> memref<200x128xi32, #tpu.memory_space<hbm>>
      %dma_start3A_522 = arith.constant 0 : i32
      %dma_start3A_523 = arith.constant 0 : i32
      %dma_start3A_524 = tpu.memref_slice %arg2[%add3A, %dma_start3A_522, %dma_start3A_523] : memref<32x200x128xi32, #tpu.memory_space<hbm>> -> memref<1x200x128xi32, #tpu.memory_space<hbm>>
      %dma_start3A_525 = tpu.memref_squeeze %dma_start3A_524 : memref<1x200x128xi32, #tpu.memory_space<hbm>> -> memref<200x128xi32, #tpu.memory_space<hbm>>
      tpu.enqueue_dma source(%dma_start3A_525 : memref<200x128xi32, #tpu.memory_space<hbm>>) target(%arg5 : memref<200x128xi32, #tpu.memory_space<vmem>>) target_semaphore(%run_scoped3A : memref<!tpu.dma_semaphore, #tpu.memory_space<semaphore_mem>>)
      %dma_wait3A_526 = arith.constant 0 : i32
      %dma_wait3A_527 = arith.constant 0 : i32
      %dma_wait3A_528 = tpu.memref_slice %arg2[%add3A, %dma_wait3A_526, %dma_wait3A_527] : memref<32x200x128xi32, #tpu.memory_space<hbm>> -> memref<1x200x128xi32, #tpu.memory_space<hbm>>
      %dma_wait3A_529 = tpu.memref_squeeze %dma_wait3A_528 : memref<1x200x128xi32, #tpu.memory_space<hbm>> -> memref<200x128xi32, #tpu.memory_space<hbm>>
      %dma_wait3A_530 = arith.constant 0 : i32
      %dma_wait3A_531 = arith.constant 0 : i32
      %dma_wait3A_532 = tpu.memref_slice %arg2[%add3A, %dma_wait3A_530, %dma_wait3A_531] : memref<32x200x128xi32, #tpu.memory_space<hbm>> -> memref<1x200x128xi32, #tpu.memory_space<hbm>>
      %dma_wait3A_533 = tpu.memref_squeeze %dma_wait3A_532 : memref<1x200x128xi32, #tpu.memory_space<hbm>> -> memref<200x128xi32, #tpu.memory_space<hbm>>
      tpu.wait_dma2 semaphore(%run_scoped3A : memref<!tpu.dma_semaphore, #tpu.memory_space<semaphore_mem>>) src(%dma_wait3A_533 : memref<200x128xi32, #tpu.memory_space<hbm>>) dst(%arg5 : memref<200x128xi32, #tpu.memory_space<vmem>>)
      tpu.yield
    }) : () -> ()
    %dma_start3A = arith.constant 0 : i32
    %dma_start3A_3 = arith.constant 0 : i32
    %dma_start3A_4 = arith.constant 0 : i32
    %dma_start3A_5 = arith.constant 0 : i32
    %dma_start3A_6 = arith.constant 0 : i32
    %dma_start3A_7 = tpu.memref_slice %arg6[%dma_start3A_3, %dma_start3A_5, %dma_start3A_6] : memref<4x128x128xf32, #tpu.memory_space<vmem>> -> memref<1x128x128xf32, #tpu.memory_space<vmem>>
    %dma_start3A_8 = tpu.memref_squeeze %dma_start3A_7 : memref<1x128x128xf32, #tpu.memory_space<vmem>> -> memref<128x128xf32, #tpu.memory_space<vmem>>
    %dma_start3A_9 = arith.constant 0 : i32
    %dma_start3A_10 = tpu.memref_slice %arg5[%dma_start3A, %dma_start3A_9] : memref<200x128xi32, #tpu.memory_space<vmem>> -> memref<1x128xi32, #tpu.memory_space<vmem>>
    %dma_start3A_11 = tpu.memref_squeeze %dma_start3A_10 : memref<1x128xi32, #tpu.memory_space<vmem>> -> memref<128xi32, #tpu.memory_space<vmem>>
    %dma_start3A_12 = arith.constant 0 : i32
    %dma_start3A_13 = arith.constant 0 : i32
    %dma_start3A_14 = tpu.memref_slice %arg3[%dma_start3A_12, %dma_start3A_13] : memref<100000x128xf32, #tpu.memory_space<hbm>> -> memref<100000x128xf32, #tpu.memory_space<hbm>>
    %dma_start3A_15 = tpu.memref_slice %arg7[%dma_start3A_4] : memref<4x!tpu.dma_semaphore, #tpu.memory_space<semaphore_mem>> -> memref<1x!tpu.dma_semaphore, #tpu.memory_space<semaphore_mem>>
    %dma_start3A_16 = tpu.memref_squeeze %dma_start3A_15 : memref<1x!tpu.dma_semaphore, #tpu.memory_space<semaphore_mem>> -> memref<!tpu.dma_semaphore, #tpu.memory_space<semaphore_mem>>
    tpu.enqueue_indirect_dma source(%dma_start3A_14 : memref<100000x128xf32, #tpu.memory_space<hbm>>) target(%dma_start3A_8 : memref<128x128xf32, #tpu.memory_space<vmem>>) offsets(%dma_start3A_11 : memref<128xi32, #tpu.memory_space<vmem>>) semaphore(%dma_start3A_16 : memref<!tpu.dma_semaphore, #tpu.memory_space<semaphore_mem>>)
    %dma_start3A_17 = arith.constant 1 : i32
    %dma_start3A_18 = arith.constant 1 : i32
    %dma_start3A_19 = arith.constant 1 : i32
    %dma_start3A_20 = arith.constant 0 : i32
    %dma_start3A_21 = arith.constant 0 : i32
    %dma_start3A_22 = tpu.memref_slice %arg6[%dma_start3A_18, %dma_start3A_20, %dma_start3A_21] : memref<4x128x128xf32, #tpu.memory_space<vmem>> -> memref<1x128x128xf32, #tpu.memory_space<vmem>>
    %dma_start3A_23 = tpu.memref_squeeze %dma_start3A_22 : memref<1x128x128xf32, #tpu.memory_space<vmem>> -> memref<128x128xf32, #tpu.memory_space<vmem>>
    %dma_start3A_24 = arith.constant 0 : i32
    %dma_start3A_25 = tpu.memref_slice %arg5[%dma_start3A_17, %dma_start3A_24] : memref<200x128xi32, #tpu.memory_space<vmem>> -> memref<1x128xi32, #tpu.memory_space<vmem>>
    %dma_start3A_26 = tpu.memref_squeeze %dma_start3A_25 : memref<1x128xi32, #tpu.memory_space<vmem>> -> memref<128xi32, #tpu.memory_space<vmem>>
    %dma_start3A_27 = arith.constant 0 : i32
    %dma_start3A_28 = arith.constant 0 : i32
    %dma_start3A_29 = tpu.memref_slice %arg3[%dma_start3A_27, %dma_start3A_28] : memref<100000x128xf32, #tpu.memory_space<hbm>> -> memref<100000x128xf32, #tpu.memory_space<hbm>>
    %dma_start3A_30 = tpu.memref_slice %arg7[%dma_start3A_19] : memref<4x!tpu.dma_semaphore, #tpu.memory_space<semaphore_mem>> -> memref<1x!tpu.dma_semaphore, #tpu.memory_space<semaphore_mem>>
    %dma_start3A_31 = tpu.memref_squeeze %dma_start3A_30 : memref<1x!tpu.dma_semaphore, #tpu.memory_space<semaphore_mem>> -> memref<!tpu.dma_semaphore, #tpu.memory_space<semaphore_mem>>
    tpu.enqueue_indirect_dma source(%dma_start3A_29 : memref<100000x128xf32, #tpu.memory_space<hbm>>) target(%dma_start3A_23 : memref<128x128xf32, #tpu.memory_space<vmem>>) offsets(%dma_start3A_26 : memref<128xi32, #tpu.memory_space<vmem>>) semaphore(%dma_start3A_31 : memref<!tpu.dma_semaphore, #tpu.memory_space<semaphore_mem>>)
    %dma_start3A_32 = arith.constant 2 : i32
    %dma_start3A_33 = arith.constant 2 : i32
    %dma_start3A_34 = arith.constant 2 : i32
    %dma_start3A_35 = arith.constant 0 : i32
    %dma_start3A_36 = arith.constant 0 : i32
    %dma_start3A_37 = tpu.memref_slice %arg6[%dma_start3A_33, %dma_start3A_35, %dma_start3A_36] : memref<4x128x128xf32, #tpu.memory_space<vmem>> -> memref<1x128x128xf32, #tpu.memory_space<vmem>>
    %dma_start3A_38 = tpu.memref_squeeze %dma_start3A_37 : memref<1x128x128xf32, #tpu.memory_space<vmem>> -> memref<128x128xf32, #tpu.memory_space<vmem>>
    %dma_start3A_39 = arith.constant 0 : i32
    %dma_start3A_40 = tpu.memref_slice %arg5[%dma_start3A_32, %dma_start3A_39] : memref<200x128xi32, #tpu.memory_space<vmem>> -> memref<1x128xi32, #tpu.memory_space<vmem>>
    %dma_start3A_41 = tpu.memref_squeeze %dma_start3A_40 : memref<1x128xi32, #tpu.memory_space<vmem>> -> memref<128xi32, #tpu.memory_space<vmem>>
    %dma_start3A_42 = arith.constant 0 : i32
    %dma_start3A_43 = arith.constant 0 : i32
    %dma_start3A_44 = tpu.memref_slice %arg3[%dma_start3A_42, %dma_start3A_43] : memref<100000x128xf32, #tpu.memory_space<hbm>> -> memref<100000x128xf32, #tpu.memory_space<hbm>>
    %dma_start3A_45 = tpu.memref_slice %arg7[%dma_start3A_34] : memref<4x!tpu.dma_semaphore, #tpu.memory_space<semaphore_mem>> -> memref<1x!tpu.dma_semaphore, #tpu.memory_space<semaphore_mem>>
    %dma_start3A_46 = tpu.memref_squeeze %dma_start3A_45 : memref<1x!tpu.dma_semaphore, #tpu.memory_space<semaphore_mem>> -> memref<!tpu.dma_semaphore, #tpu.memory_space<semaphore_mem>>
    tpu.enqueue_indirect_dma source(%dma_start3A_44 : memref<100000x128xf32, #tpu.memory_space<hbm>>) target(%dma_start3A_38 : memref<128x128xf32, #tpu.memory_space<vmem>>) offsets(%dma_start3A_41 : memref<128xi32, #tpu.memory_space<vmem>>) semaphore(%dma_start3A_46 : memref<!tpu.dma_semaphore, #tpu.memory_space<semaphore_mem>>)
    %dma_wait3A = arith.constant 0 : i32
    %dma_wait3A_47 = arith.constant 0 : i32
    %dma_wait3A_48 = arith.constant 0 : i32
    %dma_wait3A_49 = arith.constant 0 : i32
    %dma_wait3A_50 = arith.constant 0 : i32
    %dma_wait3A_51 = tpu.memref_slice %arg6[%dma_wait3A_47, %dma_wait3A_49, %dma_wait3A_50] : memref<4x128x128xf32, #tpu.memory_space<vmem>> -> memref<1x128x128xf32, #tpu.memory_space<vmem>>
    %dma_wait3A_52 = tpu.memref_squeeze %dma_wait3A_51 : memref<1x128x128xf32, #tpu.memory_space<vmem>> -> memref<128x128xf32, #tpu.memory_space<vmem>>
    %dma_wait3A_53 = arith.constant 0 : i32
    %dma_wait3A_54 = tpu.memref_slice %arg5[%dma_wait3A, %dma_wait3A_53] : memref<200x128xi32, #tpu.memory_space<vmem>> -> memref<1x128xi32, #tpu.memory_space<vmem>>
    %dma_wait3A_55 = tpu.memref_squeeze %dma_wait3A_54 : memref<1x128xi32, #tpu.memory_space<vmem>> -> memref<128xi32, #tpu.memory_space<vmem>>
    %dma_wait3A_56 = arith.constant 0 : i32
    %dma_wait3A_57 = arith.constant 0 : i32
    %dma_wait3A_58 = tpu.memref_slice %arg3[%dma_wait3A_56, %dma_wait3A_57] : memref<100000x128xf32, #tpu.memory_space<hbm>> -> memref<100000x128xf32, #tpu.memory_space<hbm>>
    %dma_wait3A_59 = tpu.memref_slice %arg7[%dma_wait3A_48] : memref<4x!tpu.dma_semaphore, #tpu.memory_space<semaphore_mem>> -> memref<1x!tpu.dma_semaphore, #tpu.memory_space<semaphore_mem>>
    %dma_wait3A_60 = tpu.memref_squeeze %dma_wait3A_59 : memref<1x!tpu.dma_semaphore, #tpu.memory_space<semaphore_mem>> -> memref<!tpu.dma_semaphore, #tpu.memory_space<semaphore_mem>>
    tpu.wait_indirect_dma semaphore(%dma_wait3A_60 : memref<!tpu.dma_semaphore, #tpu.memory_space<semaphore_mem>>) src(%dma_wait3A_58 : memref<100000x128xf32, #tpu.memory_space<hbm>>) dst(%dma_wait3A_52 : memref<128x128xf32, #tpu.memory_space<vmem>>)
    %add3A_61 = arith.constant 0 : i32
    %add3A_62 = arith.addi %mul3A_2, %add3A_61 : i32
    %dma_start3A_63 = arith.constant 0 : i32
    %dma_start3A_64 = arith.constant 0 : i32
    %dma_start3A_65 = arith.constant 0 : i32
    %dma_start3A_66 = arith.constant 0 : i32
    %dma_start3A_67 = tpu.memref_slice %arg6[%dma_start3A_63, %dma_start3A_65, %dma_start3A_66] : memref<4x128x128xf32, #tpu.memory_space<vmem>> -> memref<1x128x128xf32, #tpu.memory_space<vmem>>
    %dma_start3A_68 = tpu.memref_squeeze %dma_start3A_67 : memref<1x128x128xf32, #tpu.memory_space<vmem>> -> memref<128x128xf32, #tpu.memory_space<vmem>>
    %dma_start3A_69 = arith.constant 0 : i32
    %dma_start3A_70 = tpu.memref_slice %arg4[%add3A_62, %dma_start3A_69] : memref<819200x128xf32, #tpu.memory_space<hbm>> -> memref<128x128xf32, #tpu.memory_space<hbm>>
    %dma_start3A_71 = tpu.memref_slice %arg8[%dma_start3A_64] : memref<4x!tpu.dma_semaphore, #tpu.memory_space<semaphore_mem>> -> memref<1x!tpu.dma_semaphore, #tpu.memory_space<semaphore_mem>>
    %dma_start3A_72 = tpu.memref_squeeze %dma_start3A_71 : memref<1x!tpu.dma_semaphore, #tpu.memory_space<semaphore_mem>> -> memref<!tpu.dma_semaphore, #tpu.memory_space<semaphore_mem>>
    %dma_start3A_73 = arith.constant 0 : i32
    %dma_start3A_74 = tpu.memref_slice %arg4[%add3A_62, %dma_start3A_73] : memref<819200x128xf32, #tpu.memory_space<hbm>> -> memref<128x128xf32, #tpu.memory_space<hbm>>
    %dma_start3A_75 = arith.constant 0 : i32
    %dma_start3A_76 = arith.constant 0 : i32
    %dma_start3A_77 = tpu.memref_slice %arg6[%dma_start3A_63, %dma_start3A_75, %dma_start3A_76] : memref<4x128x128xf32, #tpu.memory_space<vmem>> -> memref<1x128x128xf32, #tpu.memory_space<vmem>>
    %dma_start3A_78 = tpu.memref_squeeze %dma_start3A_77 : memref<1x128x128xf32, #tpu.memory_space<vmem>> -> memref<128x128xf32, #tpu.memory_space<vmem>>
    tpu.enqueue_dma source(%dma_start3A_78 : memref<128x128xf32, #tpu.memory_space<vmem>>) target(%dma_start3A_74 : memref<128x128xf32, #tpu.memory_space<hbm>>) target_semaphore(%dma_start3A_72 : memref<!tpu.dma_semaphore, #tpu.memory_space<semaphore_mem>>)
    %dma_start3A_79 = arith.constant 3 : i32
    %dma_start3A_80 = arith.constant 3 : i32
    %dma_start3A_81 = arith.constant 3 : i32
    %dma_start3A_82 = arith.constant 0 : i32
    %dma_start3A_83 = arith.constant 0 : i32
    %dma_start3A_84 = tpu.memref_slice %arg6[%dma_start3A_80, %dma_start3A_82, %dma_start3A_83] : memref<4x128x128xf32, #tpu.memory_space<vmem>> -> memref<1x128x128xf32, #tpu.memory_space<vmem>>
    %dma_start3A_85 = tpu.memref_squeeze %dma_start3A_84 : memref<1x128x128xf32, #tpu.memory_space<vmem>> -> memref<128x128xf32, #tpu.memory_space<vmem>>
    %dma_start3A_86 = arith.constant 0 : i32
    %dma_start3A_87 = tpu.memref_slice %arg5[%dma_start3A_79, %dma_start3A_86] : memref<200x128xi32, #tpu.memory_space<vmem>> -> memref<1x128xi32, #tpu.memory_space<vmem>>
    %dma_start3A_88 = tpu.memref_squeeze %dma_start3A_87 : memref<1x128xi32, #tpu.memory_space<vmem>> -> memref<128xi32, #tpu.memory_space<vmem>>
    %dma_start3A_89 = arith.constant 0 : i32
    %dma_start3A_90 = arith.constant 0 : i32
    %dma_start3A_91 = tpu.memref_slice %arg3[%dma_start3A_89, %dma_start3A_90] : memref<100000x128xf32, #tpu.memory_space<hbm>> -> memref<100000x128xf32, #tpu.memory_space<hbm>>
    %dma_start3A_92 = tpu.memref_slice %arg7[%dma_start3A_81] : memref<4x!tpu.dma_semaphore, #tpu.memory_space<semaphore_mem>> -> memref<1x!tpu.dma_semaphore, #tpu.memory_space<semaphore_mem>>
    %dma_start3A_93 = tpu.memref_squeeze %dma_start3A_92 : memref<1x!tpu.dma_semaphore, #tpu.memory_space<semaphore_mem>> -> memref<!tpu.dma_semaphore, #tpu.memory_space<semaphore_mem>>
    tpu.enqueue_indirect_dma source(%dma_start3A_91 : memref<100000x128xf32, #tpu.memory_space<hbm>>) target(%dma_start3A_85 : memref<128x128xf32, #tpu.memory_space<vmem>>) offsets(%dma_start3A_88 : memref<128xi32, #tpu.memory_space<vmem>>) semaphore(%dma_start3A_93 : memref<!tpu.dma_semaphore, #tpu.memory_space<semaphore_mem>>)
    %dma_wait3A_94 = arith.constant 0 : i32
    %dma_wait3A_95 = arith.constant 1 : i32
    %dma_wait3A_96 = arith.constant 1 : i32
    %dma_wait3A_97 = arith.constant 0 : i32
    %dma_wait3A_98 = arith.constant 0 : i32
    %dma_wait3A_99 = tpu.memref_slice %arg6[%dma_wait3A_95, %dma_wait3A_97, %dma_wait3A_98] : memref<4x128x128xf32, #tpu.memory_space<vmem>> -> memref<1x128x128xf32, #tpu.memory_space<vmem>>
    %dma_wait3A_100 = tpu.memref_squeeze %dma_wait3A_99 : memref<1x128x128xf32, #tpu.memory_space<vmem>> -> memref<128x128xf32, #tpu.memory_space<vmem>>
    %dma_wait3A_101 = arith.constant 0 : i32
    %dma_wait3A_102 = tpu.memref_slice %arg5[%dma_wait3A_94, %dma_wait3A_101] : memref<200x128xi32, #tpu.memory_space<vmem>> -> memref<1x128xi32, #tpu.memory_space<vmem>>
    %dma_wait3A_103 = tpu.memref_squeeze %dma_wait3A_102 : memref<1x128xi32, #tpu.memory_space<vmem>> -> memref<128xi32, #tpu.memory_space<vmem>>
    %dma_wait3A_104 = arith.constant 0 : i32
    %dma_wait3A_105 = arith.constant 0 : i32
    %dma_wait3A_106 = tpu.memref_slice %arg3[%dma_wait3A_104, %dma_wait3A_105] : memref<100000x128xf32, #tpu.memory_space<hbm>> -> memref<100000x128xf32, #tpu.memory_space<hbm>>
    %dma_wait3A_107 = tpu.memref_slice %arg7[%dma_wait3A_96] : memref<4x!tpu.dma_semaphore, #tpu.memory_space<semaphore_mem>> -> memref<1x!tpu.dma_semaphore, #tpu.memory_space<semaphore_mem>>
    %dma_wait3A_108 = tpu.memref_squeeze %dma_wait3A_107 : memref<1x!tpu.dma_semaphore, #tpu.memory_space<semaphore_mem>> -> memref<!tpu.dma_semaphore, #tpu.memory_space<semaphore_mem>>
    tpu.wait_indirect_dma semaphore(%dma_wait3A_108 : memref<!tpu.dma_semaphore, #tpu.memory_space<semaphore_mem>>) src(%dma_wait3A_106 : memref<100000x128xf32, #tpu.memory_space<hbm>>) dst(%dma_wait3A_100 : memref<128x128xf32, #tpu.memory_space<vmem>>)
    %add3A_109 = arith.constant 128 : i32
    %add3A_110 = arith.addi %mul3A_2, %add3A_109 : i32
    %dma_start3A_111 = arith.constant 1 : i32
    %dma_start3A_112 = arith.constant 1 : i32
    %dma_start3A_113 = arith.constant 0 : i32
    %dma_start3A_114 = arith.constant 0 : i32
    %dma_start3A_115 = tpu.memref_slice %arg6[%dma_start3A_111, %dma_start3A_113, %dma_start3A_114] : memref<4x128x128xf32, #tpu.memory_space<vmem>> -> memref<1x128x128xf32, #tpu.memory_space<vmem>>
    %dma_start3A_116 = tpu.memref_squeeze %dma_start3A_115 : memref<1x128x128xf32, #tpu.memory_space<vmem>> -> memref<128x128xf32, #tpu.memory_space<vmem>>
    %dma_start3A_117 = arith.constant 0 : i32
    %dma_start3A_118 = tpu.memref_slice %arg4[%add3A_110, %dma_start3A_117] : memref<819200x128xf32, #tpu.memory_space<hbm>> -> memref<128x128xf32, #tpu.memory_space<hbm>>
    %dma_start3A_119 = tpu.memref_slice %arg8[%dma_start3A_112] : memref<4x!tpu.dma_semaphore, #tpu.memory_space<semaphore_mem>> -> memref<1x!tpu.dma_semaphore, #tpu.memory_space<semaphore_mem>>
    %dma_start3A_120 = tpu.memref_squeeze %dma_start3A_119 : memref<1x!tpu.dma_semaphore, #tpu.memory_space<semaphore_mem>> -> memref<!tpu.dma_semaphore, #tpu.memory_space<semaphore_mem>>
    %dma_start3A_121 = arith.constant 0 : i32
    %dma_start3A_122 = tpu.memref_slice %arg4[%add3A_110, %dma_start3A_121] : memref<819200x128xf32, #tpu.memory_space<hbm>> -> memref<128x128xf32, #tpu.memory_space<hbm>>
    %dma_start3A_123 = arith.constant 0 : i32
    %dma_start3A_124 = arith.constant 0 : i32
    %dma_start3A_125 = tpu.memref_slice %arg6[%dma_start3A_111, %dma_start3A_123, %dma_start3A_124] : memref<4x128x128xf32, #tpu.memory_space<vmem>> -> memref<1x128x128xf32, #tpu.memory_space<vmem>>
    %dma_start3A_126 = tpu.memref_squeeze %dma_start3A_125 : memref<1x128x128xf32, #tpu.memory_space<vmem>> -> memref<128x128xf32, #tpu.memory_space<vmem>>
    tpu.enqueue_dma source(%dma_start3A_126 : memref<128x128xf32, #tpu.memory_space<vmem>>) target(%dma_start3A_122 : memref<128x128xf32, #tpu.memory_space<hbm>>) target_semaphore(%dma_start3A_120 : memref<!tpu.dma_semaphore, #tpu.memory_space<semaphore_mem>>)
    %dma_wait3A_127 = arith.constant 0 : i32
    %dma_wait3A_128 = arith.constant 0 : i32
    %dma_wait3A_129 = arith.constant 0 : i32
    %dma_wait3A_130 = arith.constant 0 : i32
    %dma_wait3A_131 = tpu.memref_slice %arg6[%dma_wait3A_127, %dma_wait3A_129, %dma_wait3A_130] : memref<4x128x128xf32, #tpu.memory_space<vmem>> -> memref<1x128x128xf32, #tpu.memory_space<vmem>>
    %dma_wait3A_132 = tpu.memref_squeeze %dma_wait3A_131 : memref<1x128x128xf32, #tpu.memory_space<vmem>> -> memref<128x128xf32, #tpu.memory_space<vmem>>
    %dma_wait3A_133 = arith.constant 0 : i32
    %dma_wait3A_134 = tpu.memref_slice %arg4[%mul3A_2, %dma_wait3A_133] : memref<819200x128xf32, #tpu.memory_space<hbm>> -> memref<128x128xf32, #tpu.memory_space<hbm>>
    %dma_wait3A_135 = tpu.memref_slice %arg8[%dma_wait3A_128] : memref<4x!tpu.dma_semaphore, #tpu.memory_space<semaphore_mem>> -> memref<1x!tpu.dma_semaphore, #tpu.memory_space<semaphore_mem>>
    %dma_wait3A_136 = tpu.memref_squeeze %dma_wait3A_135 : memref<1x!tpu.dma_semaphore, #tpu.memory_space<semaphore_mem>> -> memref<!tpu.dma_semaphore, #tpu.memory_space<semaphore_mem>>
    %dma_wait3A_137 = arith.constant 0 : i32
    %dma_wait3A_138 = tpu.memref_slice %arg4[%mul3A_2, %dma_wait3A_137] : memref<819200x128xf32, #tpu.memory_space<hbm>> -> memref<128x128xf32, #tpu.memory_space<hbm>>
    %dma_wait3A_139 = arith.constant 0 : i32
    %dma_wait3A_140 = arith.constant 0 : i32
    %dma_wait3A_141 = tpu.memref_slice %arg6[%dma_wait3A_127, %dma_wait3A_139, %dma_wait3A_140] : memref<4x128x128xf32, #tpu.memory_space<vmem>> -> memref<1x128x128xf32, #tpu.memory_space<vmem>>
    %dma_wait3A_142 = tpu.memref_squeeze %dma_wait3A_141 : memref<1x128x128xf32, #tpu.memory_space<vmem>> -> memref<128x128xf32, #tpu.memory_space<vmem>>
    tpu.wait_dma2 semaphore(%dma_wait3A_136 : memref<!tpu.dma_semaphore, #tpu.memory_space<semaphore_mem>>) src(%dma_wait3A_142 : memref<128x128xf32, #tpu.memory_space<vmem>>) dst(%dma_wait3A_138 : memref<128x128xf32, #tpu.memory_space<hbm>>)
    %dma_start3A_143 = arith.constant 4 : i32
    %dma_start3A_144 = arith.constant 0 : i32
    %dma_start3A_145 = arith.constant 0 : i32
    %dma_start3A_146 = arith.constant 0 : i32
    %dma_start3A_147 = arith.constant 0 : i32
    %dma_start3A_148 = tpu.memref_slice %arg6[%dma_start3A_144, %dma_start3A_146, %dma_start3A_147] : memref<4x128x128xf32, #tpu.memory_space<vmem>> -> memref<1x128x128xf32, #tpu.memory_space<vmem>>
    %dma_start3A_149 = tpu.memref_squeeze %dma_start3A_148 : memref<1x128x128xf32, #tpu.memory_space<vmem>> -> memref<128x128xf32, #tpu.memory_space<vmem>>
    %dma_start3A_150 = arith.constant 0 : i32
    %dma_start3A_151 = tpu.memref_slice %arg5[%dma_start3A_143, %dma_start3A_150] : memref<200x128xi32, #tpu.memory_space<vmem>> -> memref<1x128xi32, #tpu.memory_space<vmem>>
    %dma_start3A_152 = tpu.memref_squeeze %dma_start3A_151 : memref<1x128xi32, #tpu.memory_space<vmem>> -> memref<128xi32, #tpu.memory_space<vmem>>
    %dma_start3A_153 = arith.constant 0 : i32
    %dma_start3A_154 = arith.constant 0 : i32
    %dma_start3A_155 = tpu.memref_slice %arg3[%dma_start3A_153, %dma_start3A_154] : memref<100000x128xf32, #tpu.memory_space<hbm>> -> memref<100000x128xf32, #tpu.memory_space<hbm>>
    %dma_start3A_156 = tpu.memref_slice %arg7[%dma_start3A_145] : memref<4x!tpu.dma_semaphore, #tpu.memory_space<semaphore_mem>> -> memref<1x!tpu.dma_semaphore, #tpu.memory_space<semaphore_mem>>
    %dma_start3A_157 = tpu.memref_squeeze %dma_start3A_156 : memref<1x!tpu.dma_semaphore, #tpu.memory_space<semaphore_mem>> -> memref<!tpu.dma_semaphore, #tpu.memory_space<semaphore_mem>>
    tpu.enqueue_indirect_dma source(%dma_start3A_155 : memref<100000x128xf32, #tpu.memory_space<hbm>>) target(%dma_start3A_149 : memref<128x128xf32, #tpu.memory_space<vmem>>) offsets(%dma_start3A_152 : memref<128xi32, #tpu.memory_space<vmem>>) semaphore(%dma_start3A_157 : memref<!tpu.dma_semaphore, #tpu.memory_space<semaphore_mem>>)
    %dma_wait3A_158 = arith.constant 0 : i32
    %dma_wait3A_159 = arith.constant 2 : i32
    %dma_wait3A_160 = arith.constant 2 : i32
    %dma_wait3A_161 = arith.constant 0 : i32
    %dma_wait3A_162 = arith.constant 0 : i32
    %dma_wait3A_163 = tpu.memref_slice %arg6[%dma_wait3A_159, %dma_wait3A_161, %dma_wait3A_162] : memref<4x128x128xf32, #tpu.memory_space<vmem>> -> memref<1x128x128xf32, #tpu.memory_space<vmem>>
    %dma_wait3A_164 = tpu.memref_squeeze %dma_wait3A_163 : memref<1x128x128xf32, #tpu.memory_space<vmem>> -> memref<128x128xf32, #tpu.memory_space<vmem>>
    %dma_wait3A_165 = arith.constant 0 : i32
    %dma_wait3A_166 = tpu.memref_slice %arg5[%dma_wait3A_158, %dma_wait3A_165] : memref<200x128xi32, #tpu.memory_space<vmem>> -> memref<1x128xi32, #tpu.memory_space<vmem>>
    %dma_wait3A_167 = tpu.memref_squeeze %dma_wait3A_166 : memref<1x128xi32, #tpu.memory_space<vmem>> -> memref<128xi32, #tpu.memory_space<vmem>>
    %dma_wait3A_168 = arith.constant 0 : i32
    %dma_wait3A_169 = arith.constant 0 : i32
    %dma_wait3A_170 = tpu.memref_slice %arg3[%dma_wait3A_168, %dma_wait3A_169] : memref<100000x128xf32, #tpu.memory_space<hbm>> -> memref<100000x128xf32, #tpu.memory_space<hbm>>
    %dma_wait3A_171 = tpu.memref_slice %arg7[%dma_wait3A_160] : memref<4x!tpu.dma_semaphore, #tpu.memory_space<semaphore_mem>> -> memref<1x!tpu.dma_semaphore, #tpu.memory_space<semaphore_mem>>
    %dma_wait3A_172 = tpu.memref_squeeze %dma_wait3A_171 : memref<1x!tpu.dma_semaphore, #tpu.memory_space<semaphore_mem>> -> memref<!tpu.dma_semaphore, #tpu.memory_space<semaphore_mem>>
    tpu.wait_indirect_dma semaphore(%dma_wait3A_172 : memref<!tpu.dma_semaphore, #tpu.memory_space<semaphore_mem>>) src(%dma_wait3A_170 : memref<100000x128xf32, #tpu.memory_space<hbm>>) dst(%dma_wait3A_164 : memref<128x128xf32, #tpu.memory_space<vmem>>)
    %add3A_173 = arith.constant 256 : i32
    %add3A_174 = arith.addi %mul3A_2, %add3A_173 : i32
    %dma_start3A_175 = arith.constant 2 : i32
    %dma_start3A_176 = arith.constant 2 : i32
    %dma_start3A_177 = arith.constant 0 : i32
    %dma_start3A_178 = arith.constant 0 : i32
    %dma_start3A_179 = tpu.memref_slice %arg6[%dma_start3A_175, %dma_start3A_177, %dma_start3A_178] : memref<4x128x128xf32, #tpu.memory_space<vmem>> -> memref<1x128x128xf32, #tpu.memory_space<vmem>>
    %dma_start3A_180 = tpu.memref_squeeze %dma_start3A_179 : memref<1x128x128xf32, #tpu.memory_space<vmem>> -> memref<128x128xf32, #tpu.memory_space<vmem>>
    %dma_start3A_181 = arith.constant 0 : i32
    %dma_start3A_182 = tpu.memref_slice %arg4[%add3A_174, %dma_start3A_181] : memref<819200x128xf32, #tpu.memory_space<hbm>> -> memref<128x128xf32, #tpu.memory_space<hbm>>
    %dma_start3A_183 = tpu.memref_slice %arg8[%dma_start3A_176] : memref<4x!tpu.dma_semaphore, #tpu.memory_space<semaphore_mem>> -> memref<1x!tpu.dma_semaphore, #tpu.memory_space<semaphore_mem>>
    %dma_start3A_184 = tpu.memref_squeeze %dma_start3A_183 : memref<1x!tpu.dma_semaphore, #tpu.memory_space<semaphore_mem>> -> memref<!tpu.dma_semaphore, #tpu.memory_space<semaphore_mem>>
    %dma_start3A_185 = arith.constant 0 : i32
    %dma_start3A_186 = tpu.memref_slice %arg4[%add3A_174, %dma_start3A_185] : memref<819200x128xf32, #tpu.memory_space<hbm>> -> memref<128x128xf32, #tpu.memory_space<hbm>>
    %dma_start3A_187 = arith.constant 0 : i32
    %dma_start3A_188 = arith.constant 0 : i32
    %dma_start3A_189 = tpu.memref_slice %arg6[%dma_start3A_175, %dma_start3A_187, %dma_start3A_188] : memref<4x128x128xf32, #tpu.memory_space<vmem>> -> memref<1x128x128xf32, #tpu.memory_space<vmem>>
    %dma_start3A_190 = tpu.memref_squeeze %dma_start3A_189 : memref<1x128x128xf32, #tpu.memory_space<vmem>> -> memref<128x128xf32, #tpu.memory_space<vmem>>
    tpu.enqueue_dma source(%dma_start3A_190 : memref<128x128xf32, #tpu.memory_space<vmem>>) target(%dma_start3A_186 : memref<128x128xf32, #tpu.memory_space<hbm>>) target_semaphore(%dma_start3A_184 : memref<!tpu.dma_semaphore, #tpu.memory_space<semaphore_mem>>)
    %dma_wait3A_191 = arith.constant 1 : i32
    %dma_wait3A_192 = arith.constant 1 : i32
    %dma_wait3A_193 = arith.constant 0 : i32
    %dma_wait3A_194 = arith.constant 0 : i32
    %dma_wait3A_195 = tpu.memref_slice %arg6[%dma_wait3A_191, %dma_wait3A_193, %dma_wait3A_194] : memref<4x128x128xf32, #tpu.memory_space<vmem>> -> memref<1x128x128xf32, #tpu.memory_space<vmem>>
    %dma_wait3A_196 = tpu.memref_squeeze %dma_wait3A_195 : memref<1x128x128xf32, #tpu.memory_space<vmem>> -> memref<128x128xf32, #tpu.memory_space<vmem>>
    %dma_wait3A_197 = arith.constant 0 : i32
    %dma_wait3A_198 = tpu.memref_slice %arg4[%mul3A_2, %dma_wait3A_197] : memref<819200x128xf32, #tpu.memory_space<hbm>> -> memref<128x128xf32, #tpu.memory_space<hbm>>
    %dma_wait3A_199 = tpu.memref_slice %arg8[%dma_wait3A_192] : memref<4x!tpu.dma_semaphore, #tpu.memory_space<semaphore_mem>> -> memref<1x!tpu.dma_semaphore, #tpu.memory_space<semaphore_mem>>
    %dma_wait3A_200 = tpu.memref_squeeze %dma_wait3A_199 : memref<1x!tpu.dma_semaphore, #tpu.memory_space<semaphore_mem>> -> memref<!tpu.dma_semaphore, #tpu.memory_space<semaphore_mem>>
    %dma_wait3A_201 = arith.constant 0 : i32
    %dma_wait3A_202 = tpu.memref_slice %arg4[%mul3A_2, %dma_wait3A_201] : memref<819200x128xf32, #tpu.memory_space<hbm>> -> memref<128x128xf32, #tpu.memory_space<hbm>>
    %dma_wait3A_203 = arith.constant 0 : i32
    %dma_wait3A_204 = arith.constant 0 : i32
    %dma_wait3A_205 = tpu.memref_slice %arg6[%dma_wait3A_191, %dma_wait3A_203, %dma_wait3A_204] : memref<4x128x128xf32, #tpu.memory_space<vmem>> -> memref<1x128x128xf32, #tpu.memory_space<vmem>>
    %dma_wait3A_206 = tpu.memref_squeeze %dma_wait3A_205 : memref<1x128x128xf32, #tpu.memory_space<vmem>> -> memref<128x128xf32, #tpu.memory_space<vmem>>
    tpu.wait_dma2 semaphore(%dma_wait3A_200 : memref<!tpu.dma_semaphore, #tpu.memory_space<semaphore_mem>>) src(%dma_wait3A_206 : memref<128x128xf32, #tpu.memory_space<vmem>>) dst(%dma_wait3A_202 : memref<128x128xf32, #tpu.memory_space<hbm>>)
    %dma_start3A_207 = arith.constant 5 : i32
    %dma_start3A_208 = arith.constant 1 : i32
    %dma_start3A_209 = arith.constant 1 : i32
    %dma_start3A_210 = arith.constant 0 : i32
    %dma_start3A_211 = arith.constant 0 : i32
    %dma_start3A_212 = tpu.memref_slice %arg6[%dma_start3A_208, %dma_start3A_210, %dma_start3A_211] : memref<4x128x128xf32, #tpu.memory_space<vmem>> -> memref<1x128x128xf32, #tpu.memory_space<vmem>>
    %dma_start3A_213 = tpu.memref_squeeze %dma_start3A_212 : memref<1x128x128xf32, #tpu.memory_space<vmem>> -> memref<128x128xf32, #tpu.memory_space<vmem>>
    %dma_start3A_214 = arith.constant 0 : i32
    %dma_start3A_215 = tpu.memref_slice %arg5[%dma_start3A_207, %dma_start3A_214] : memref<200x128xi32, #tpu.memory_space<vmem>> -> memref<1x128xi32, #tpu.memory_space<vmem>>
    %dma_start3A_216 = tpu.memref_squeeze %dma_start3A_215 : memref<1x128xi32, #tpu.memory_space<vmem>> -> memref<128xi32, #tpu.memory_space<vmem>>
    %dma_start3A_217 = arith.constant 0 : i32
    %dma_start3A_218 = arith.constant 0 : i32
    %dma_start3A_219 = tpu.memref_slice %arg3[%dma_start3A_217, %dma_start3A_218] : memref<100000x128xf32, #tpu.memory_space<hbm>> -> memref<100000x128xf32, #tpu.memory_space<hbm>>
    %dma_start3A_220 = tpu.memref_slice %arg7[%dma_start3A_209] : memref<4x!tpu.dma_semaphore, #tpu.memory_space<semaphore_mem>> -> memref<1x!tpu.dma_semaphore, #tpu.memory_space<semaphore_mem>>
    %dma_start3A_221 = tpu.memref_squeeze %dma_start3A_220 : memref<1x!tpu.dma_semaphore, #tpu.memory_space<semaphore_mem>> -> memref<!tpu.dma_semaphore, #tpu.memory_space<semaphore_mem>>
    tpu.enqueue_indirect_dma source(%dma_start3A_219 : memref<100000x128xf32, #tpu.memory_space<hbm>>) target(%dma_start3A_213 : memref<128x128xf32, #tpu.memory_space<vmem>>) offsets(%dma_start3A_216 : memref<128xi32, #tpu.memory_space<vmem>>) semaphore(%dma_start3A_221 : memref<!tpu.dma_semaphore, #tpu.memory_space<semaphore_mem>>)
    %dma_wait3A_222 = arith.constant 0 : i32
    %dma_wait3A_223 = arith.constant 3 : i32
    %dma_wait3A_224 = arith.constant 3 : i32
    %dma_wait3A_225 = arith.constant 0 : i32
    %dma_wait3A_226 = arith.constant 0 : i32
    %dma_wait3A_227 = tpu.memref_slice %arg6[%dma_wait3A_223, %dma_wait3A_225, %dma_wait3A_226] : memref<4x128x128xf32, #tpu.memory_space<vmem>> -> memref<1x128x128xf32, #tpu.memory_space<vmem>>
    %dma_wait3A_228 = tpu.memref_squeeze %dma_wait3A_227 : memref<1x128x128xf32, #tpu.memory_space<vmem>> -> memref<128x128xf32, #tpu.memory_space<vmem>>
    %dma_wait3A_229 = arith.constant 0 : i32
    %dma_wait3A_230 = tpu.memref_slice %arg5[%dma_wait3A_222, %dma_wait3A_229] : memref<200x128xi32, #tpu.memory_space<vmem>> -> memref<1x128xi32, #tpu.memory_space<vmem>>
    %dma_wait3A_231 = tpu.memref_squeeze %dma_wait3A_230 : memref<1x128xi32, #tpu.memory_space<vmem>> -> memref<128xi32, #tpu.memory_space<vmem>>
    %dma_wait3A_232 = arith.constant 0 : i32
    %dma_wait3A_233 = arith.constant 0 : i32
    %dma_wait3A_234 = tpu.memref_slice %arg3[%dma_wait3A_232, %dma_wait3A_233] : memref<100000x128xf32, #tpu.memory_space<hbm>> -> memref<100000x128xf32, #tpu.memory_space<hbm>>
    %dma_wait3A_235 = tpu.memref_slice %arg7[%dma_wait3A_224] : memref<4x!tpu.dma_semaphore, #tpu.memory_space<semaphore_mem>> -> memref<1x!tpu.dma_semaphore, #tpu.memory_space<semaphore_mem>>
    %dma_wait3A_236 = tpu.memref_squeeze %dma_wait3A_235 : memref<1x!tpu.dma_semaphore, #tpu.memory_space<semaphore_mem>> -> memref<!tpu.dma_semaphore, #tpu.memory_space<semaphore_mem>>
    tpu.wait_indirect_dma semaphore(%dma_wait3A_236 : memref<!tpu.dma_semaphore, #tpu.memory_space<semaphore_mem>>) src(%dma_wait3A_234 : memref<100000x128xf32, #tpu.memory_space<hbm>>) dst(%dma_wait3A_228 : memref<128x128xf32, #tpu.memory_space<vmem>>)
    %add3A_237 = arith.constant 384 : i32
    %add3A_238 = arith.addi %mul3A_2, %add3A_237 : i32
    %dma_start3A_239 = arith.constant 3 : i32
    %dma_start3A_240 = arith.constant 3 : i32
    %dma_start3A_241 = arith.constant 0 : i32
    %dma_start3A_242 = arith.constant 0 : i32
    %dma_start3A_243 = tpu.memref_slice %arg6[%dma_start3A_239, %dma_start3A_241, %dma_start3A_242] : memref<4x128x128xf32, #tpu.memory_space<vmem>> -> memref<1x128x128xf32, #tpu.memory_space<vmem>>
    %dma_start3A_244 = tpu.memref_squeeze %dma_start3A_243 : memref<1x128x128xf32, #tpu.memory_space<vmem>> -> memref<128x128xf32, #tpu.memory_space<vmem>>
    %dma_start3A_245 = arith.constant 0 : i32
    %dma_start3A_246 = tpu.memref_slice %arg4[%add3A_238, %dma_start3A_245] : memref<819200x128xf32, #tpu.memory_space<hbm>> -> memref<128x128xf32, #tpu.memory_space<hbm>>
    %dma_start3A_247 = tpu.memref_slice %arg8[%dma_start3A_240] : memref<4x!tpu.dma_semaphore, #tpu.memory_space<semaphore_mem>> -> memref<1x!tpu.dma_semaphore, #tpu.memory_space<semaphore_mem>>
    %dma_start3A_248 = tpu.memref_squeeze %dma_start3A_247 : memref<1x!tpu.dma_semaphore, #tpu.memory_space<semaphore_mem>> -> memref<!tpu.dma_semaphore, #tpu.memory_space<semaphore_mem>>
    %dma_start3A_249 = arith.constant 0 : i32
    %dma_start3A_250 = tpu.memref_slice %arg4[%add3A_238, %dma_start3A_249] : memref<819200x128xf32, #tpu.memory_space<hbm>> -> memref<128x128xf32, #tpu.memory_space<hbm>>
    %dma_start3A_251 = arith.constant 0 : i32
    %dma_start3A_252 = arith.constant 0 : i32
    %dma_start3A_253 = tpu.memref_slice %arg6[%dma_start3A_239, %dma_start3A_251, %dma_start3A_252] : memref<4x128x128xf32, #tpu.memory_space<vmem>> -> memref<1x128x128xf32, #tpu.memory_space<vmem>>
    %dma_start3A_254 = tpu.memref_squeeze %dma_start3A_253 : memref<1x128x128xf32, #tpu.memory_space<vmem>> -> memref<128x128xf32, #tpu.memory_space<vmem>>
    tpu.enqueue_dma source(%dma_start3A_254 : memref<128x128xf32, #tpu.memory_space<vmem>>) target(%dma_start3A_250 : memref<128x128xf32, #tpu.memory_space<hbm>>) target_semaphore(%dma_start3A_248 : memref<!tpu.dma_semaphore, #tpu.memory_space<semaphore_mem>>)
    %scan3A = arith.constant 0 : i32
    %scan3A_255 = arith.constant 1 : i32
    %scan3A_256 = arith.constant 48 : i32
    %scan3A_257 = arith.addi %scan3A_255, %scan3A_256 : i32
    %scan3A_258 = arith.constant 1 : i32
    scf.for %scan3A_518 = %scan3A_255 to %scan3A_257 step %scan3A_258  : i32 {
      %mul3A_519 = arith.constant 4 : i32
      %mul3A_520 = arith.muli %scan3A_518, %mul3A_519 : i32
      %dma_wait3A_521 = arith.constant 2 : i32
      %dma_wait3A_522 = arith.constant 2 : i32
      %dma_wait3A_523 = arith.constant 0 : i32
      %dma_wait3A_524 = arith.constant 0 : i32
      %dma_wait3A_525 = tpu.memref_slice %arg6[%dma_wait3A_521, %dma_wait3A_523, %dma_wait3A_524] : memref<4x128x128xf32, #tpu.memory_space<vmem>> -> memref<1x128x128xf32, #tpu.memory_space<vmem>>
      %dma_wait3A_526 = tpu.memref_squeeze %dma_wait3A_525 : memref<1x128x128xf32, #tpu.memory_space<vmem>> -> memref<128x128xf32, #tpu.memory_space<vmem>>
      %dma_wait3A_527 = arith.constant 0 : i32
      %dma_wait3A_528 = tpu.memref_slice %arg4[%mul3A_2, %dma_wait3A_527] : memref<819200x128xf32, #tpu.memory_space<hbm>> -> memref<128x128xf32, #tpu.memory_space<hbm>>
      %dma_wait3A_529 = tpu.memref_slice %arg8[%dma_wait3A_522] : memref<4x!tpu.dma_semaphore, #tpu.memory_space<semaphore_mem>> -> memref<1x!tpu.dma_semaphore, #tpu.memory_space<semaphore_mem>>
      %dma_wait3A_530 = tpu.memref_squeeze %dma_wait3A_529 : memref<1x!tpu.dma_semaphore, #tpu.memory_space<semaphore_mem>> -> memref<!tpu.dma_semaphore, #tpu.memory_space<semaphore_mem>>
      %dma_wait3A_531 = arith.constant 0 : i32
      %dma_wait3A_532 = tpu.memref_slice %arg4[%mul3A_2, %dma_wait3A_531] : memref<819200x128xf32, #tpu.memory_space<hbm>> -> memref<128x128xf32, #tpu.memory_space<hbm>>
      %dma_wait3A_533 = arith.constant 0 : i32
      %dma_wait3A_534 = arith.constant 0 : i32
      %dma_wait3A_535 = tpu.memref_slice %arg6[%dma_wait3A_521, %dma_wait3A_533, %dma_wait3A_534] : memref<4x128x128xf32, #tpu.memory_space<vmem>> -> memref<1x128x128xf32, #tpu.memory_space<vmem>>
      %dma_wait3A_536 = tpu.memref_squeeze %dma_wait3A_535 : memref<1x128x128xf32, #tpu.memory_space<vmem>> -> memref<128x128xf32, #tpu.memory_space<vmem>>
      tpu.wait_dma2 semaphore(%dma_wait3A_530 : memref<!tpu.dma_semaphore, #tpu.memory_space<semaphore_mem>>) src(%dma_wait3A_536 : memref<128x128xf32, #tpu.memory_space<vmem>>) dst(%dma_wait3A_532 : memref<128x128xf32, #tpu.memory_space<hbm>>)
      %add3A_537 = arith.constant 0 : i32
      %add3A_538 = arith.addi %mul3A_520, %add3A_537 : i32
      %add3A_539 = arith.constant 2 : i32
      %add3A_540 = arith.addi %add3A_538, %add3A_539 : i32
      %dma_start3A_541 = arith.constant 2 : i32
      %dma_start3A_542 = arith.constant 2 : i32
      %dma_start3A_543 = arith.constant 0 : i32
      %dma_start3A_544 = arith.constant 0 : i32
      %dma_start3A_545 = tpu.memref_slice %arg6[%dma_start3A_541, %dma_start3A_543, %dma_start3A_544] : memref<4x128x128xf32, #tpu.memory_space<vmem>> -> memref<1x128x128xf32, #tpu.memory_space<vmem>>
      %dma_start3A_546 = tpu.memref_squeeze %dma_start3A_545 : memref<1x128x128xf32, #tpu.memory_space<vmem>> -> memref<128x128xf32, #tpu.memory_space<vmem>>
      %dma_start3A_547 = arith.constant 0 : i32
      %dma_start3A_548 = tpu.memref_slice %arg5[%add3A_540, %dma_start3A_547] : memref<200x128xi32, #tpu.memory_space<vmem>> -> memref<1x128xi32, #tpu.memory_space<vmem>>
      %dma_start3A_549 = tpu.memref_squeeze %dma_start3A_548 : memref<1x128xi32, #tpu.memory_space<vmem>> -> memref<128xi32, #tpu.memory_space<vmem>>
      %dma_start3A_550 = arith.constant 0 : i32
      %dma_start3A_551 = arith.constant 0 : i32
      %dma_start3A_552 = tpu.memref_slice %arg3[%dma_start3A_550, %dma_start3A_551] : memref<100000x128xf32, #tpu.memory_space<hbm>> -> memref<100000x128xf32, #tpu.memory_space<hbm>>
      %dma_start3A_553 = tpu.memref_slice %arg7[%dma_start3A_542] : memref<4x!tpu.dma_semaphore, #tpu.memory_space<semaphore_mem>> -> memref<1x!tpu.dma_semaphore, #tpu.memory_space<semaphore_mem>>
      %dma_start3A_554 = tpu.memref_squeeze %dma_start3A_553 : memref<1x!tpu.dma_semaphore, #tpu.memory_space<semaphore_mem>> -> memref<!tpu.dma_semaphore, #tpu.memory_space<semaphore_mem>>
      tpu.enqueue_indirect_dma source(%dma_start3A_552 : memref<100000x128xf32, #tpu.memory_space<hbm>>) target(%dma_start3A_546 : memref<128x128xf32, #tpu.memory_space<vmem>>) offsets(%dma_start3A_549 : memref<128xi32, #tpu.memory_space<vmem>>) semaphore(%dma_start3A_554 : memref<!tpu.dma_semaphore, #tpu.memory_space<semaphore_mem>>)
      %dma_wait3A_555 = arith.constant 0 : i32
      %dma_wait3A_556 = arith.constant 0 : i32
      %dma_wait3A_557 = arith.constant 0 : i32
      %dma_wait3A_558 = arith.constant 0 : i32
      %dma_wait3A_559 = arith.constant 0 : i32
      %dma_wait3A_560 = tpu.memref_slice %arg6[%dma_wait3A_556, %dma_wait3A_558, %dma_wait3A_559] : memref<4x128x128xf32, #tpu.memory_space<vmem>> -> memref<1x128x128xf32, #tpu.memory_space<vmem>>
      %dma_wait3A_561 = tpu.memref_squeeze %dma_wait3A_560 : memref<1x128x128xf32, #tpu.memory_space<vmem>> -> memref<128x128xf32, #tpu.memory_space<vmem>>
      %dma_wait3A_562 = arith.constant 0 : i32
      %dma_wait3A_563 = tpu.memref_slice %arg5[%dma_wait3A_555, %dma_wait3A_562] : memref<200x128xi32, #tpu.memory_space<vmem>> -> memref<1x128xi32, #tpu.memory_space<vmem>>
      %dma_wait3A_564 = tpu.memref_squeeze %dma_wait3A_563 : memref<1x128xi32, #tpu.memory_space<vmem>> -> memref<128xi32, #tpu.memory_space<vmem>>
      %dma_wait3A_565 = arith.constant 0 : i32
      %dma_wait3A_566 = arith.constant 0 : i32
      %dma_wait3A_567 = tpu.memref_slice %arg3[%dma_wait3A_565, %dma_wait3A_566] : memref<100000x128xf32, #tpu.memory_space<hbm>> -> memref<100000x128xf32, #tpu.memory_space<hbm>>
      %dma_wait3A_568 = tpu.memref_slice %arg7[%dma_wait3A_557] : memref<4x!tpu.dma_semaphore, #tpu.memory_space<semaphore_mem>> -> memref<1x!tpu.dma_semaphore, #tpu.memory_space<semaphore_mem>>
      %dma_wait3A_569 = tpu.memref_squeeze %dma_wait3A_568 : memref<1x!tpu.dma_semaphore, #tpu.memory_space<semaphore_mem>> -> memref<!tpu.dma_semaphore, #tpu.memory_space<semaphore_mem>>
      tpu.wait_indirect_dma semaphore(%dma_wait3A_569 : memref<!tpu.dma_semaphore, #tpu.memory_space<semaphore_mem>>) src(%dma_wait3A_567 : memref<100000x128xf32, #tpu.memory_space<hbm>>) dst(%dma_wait3A_561 : memref<128x128xf32, #tpu.memory_space<vmem>>)
      %add3A_570 = arith.constant 0 : i32
      %add3A_571 = arith.addi %mul3A_520, %add3A_570 : i32
      %mul3A_572 = arith.constant 128 : i32
      %mul3A_573 = arith.muli %add3A_571, %mul3A_572 : i32
      %add3A_574 = arith.addi %mul3A_2, %mul3A_573 : i32
      %dma_start3A_575 = arith.constant 0 : i32
      %dma_start3A_576 = arith.constant 0 : i32
      %dma_start3A_577 = arith.constant 0 : i32
      %dma_start3A_578 = arith.constant 0 : i32
      %dma_start3A_579 = tpu.memref_slice %arg6[%dma_start3A_575, %dma_start3A_577, %dma_start3A_578] : memref<4x128x128xf32, #tpu.memory_space<vmem>> -> memref<1x128x128xf32, #tpu.memory_space<vmem>>
      %dma_start3A_580 = tpu.memref_squeeze %dma_start3A_579 : memref<1x128x128xf32, #tpu.memory_space<vmem>> -> memref<128x128xf32, #tpu.memory_space<vmem>>
      %dma_start3A_581 = arith.constant 0 : i32
      %dma_start3A_582 = tpu.memref_slice %arg4[%add3A_574, %dma_start3A_581] : memref<819200x128xf32, #tpu.memory_space<hbm>> -> memref<128x128xf32, #tpu.memory_space<hbm>>
      %dma_start3A_583 = tpu.memref_slice %arg8[%dma_start3A_576] : memref<4x!tpu.dma_semaphore, #tpu.memory_space<semaphore_mem>> -> memref<1x!tpu.dma_semaphore, #tpu.memory_space<semaphore_mem>>
      %dma_start3A_584 = tpu.memref_squeeze %dma_start3A_583 : memref<1x!tpu.dma_semaphore, #tpu.memory_space<semaphore_mem>> -> memref<!tpu.dma_semaphore, #tpu.memory_space<semaphore_mem>>
      %dma_start3A_585 = arith.constant 0 : i32
      %dma_start3A_586 = tpu.memref_slice %arg4[%add3A_574, %dma_start3A_585] : memref<819200x128xf32, #tpu.memory_space<hbm>> -> memref<128x128xf32, #tpu.memory_space<hbm>>
      %dma_start3A_587 = arith.constant 0 : i32
      %dma_start3A_588 = arith.constant 0 : i32
      %dma_start3A_589 = tpu.memref_slice %arg6[%dma_start3A_575, %dma_start3A_587, %dma_start3A_588] : memref<4x128x128xf32, #tpu.memory_space<vmem>> -> memref<1x128x128xf32, #tpu.memory_space<vmem>>
      %dma_start3A_590 = tpu.memref_squeeze %dma_start3A_589 : memref<1x128x128xf32, #tpu.memory_space<vmem>> -> memref<128x128xf32, #tpu.memory_space<vmem>>
      tpu.enqueue_dma source(%dma_start3A_590 : memref<128x128xf32, #tpu.memory_space<vmem>>) target(%dma_start3A_586 : memref<128x128xf32, #tpu.memory_space<hbm>>) target_semaphore(%dma_start3A_584 : memref<!tpu.dma_semaphore, #tpu.memory_space<semaphore_mem>>)
      %dma_wait3A_591 = arith.constant 3 : i32
      %dma_wait3A_592 = arith.constant 3 : i32
      %dma_wait3A_593 = arith.constant 0 : i32
      %dma_wait3A_594 = arith.constant 0 : i32
      %dma_wait3A_595 = tpu.memref_slice %arg6[%dma_wait3A_591, %dma_wait3A_593, %dma_wait3A_594] : memref<4x128x128xf32, #tpu.memory_space<vmem>> -> memref<1x128x128xf32, #tpu.memory_space<vmem>>
      %dma_wait3A_596 = tpu.memref_squeeze %dma_wait3A_595 : memref<1x128x128xf32, #tpu.memory_space<vmem>> -> memref<128x128xf32, #tpu.memory_space<vmem>>
      %dma_wait3A_597 = arith.constant 0 : i32
      %dma_wait3A_598 = tpu.memref_slice %arg4[%mul3A_2, %dma_wait3A_597] : memref<819200x128xf32, #tpu.memory_space<hbm>> -> memref<128x128xf32, #tpu.memory_space<hbm>>
      %dma_wait3A_599 = tpu.memref_slice %arg8[%dma_wait3A_592] : memref<4x!tpu.dma_semaphore, #tpu.memory_space<semaphore_mem>> -> memref<1x!tpu.dma_semaphore, #tpu.memory_space<semaphore_mem>>
      %dma_wait3A_600 = tpu.memref_squeeze %dma_wait3A_599 : memref<1x!tpu.dma_semaphore, #tpu.memory_space<semaphore_mem>> -> memref<!tpu.dma_semaphore, #tpu.memory_space<semaphore_mem>>
      %dma_wait3A_601 = arith.constant 0 : i32
      %dma_wait3A_602 = tpu.memref_slice %arg4[%mul3A_2, %dma_wait3A_601] : memref<819200x128xf32, #tpu.memory_space<hbm>> -> memref<128x128xf32, #tpu.memory_space<hbm>>
      %dma_wait3A_603 = arith.constant 0 : i32
      %dma_wait3A_604 = arith.constant 0 : i32
      %dma_wait3A_605 = tpu.memref_slice %arg6[%dma_wait3A_591, %dma_wait3A_603, %dma_wait3A_604] : memref<4x128x128xf32, #tpu.memory_space<vmem>> -> memref<1x128x128xf32, #tpu.memory_space<vmem>>
      %dma_wait3A_606 = tpu.memref_squeeze %dma_wait3A_605 : memref<1x128x128xf32, #tpu.memory_space<vmem>> -> memref<128x128xf32, #tpu.memory_space<vmem>>
      tpu.wait_dma2 semaphore(%dma_wait3A_600 : memref<!tpu.dma_semaphore, #tpu.memory_space<semaphore_mem>>) src(%dma_wait3A_606 : memref<128x128xf32, #tpu.memory_space<vmem>>) dst(%dma_wait3A_602 : memref<128x128xf32, #tpu.memory_space<hbm>>)
      %add3A_607 = arith.constant 1 : i32
      %add3A_608 = arith.addi %mul3A_520, %add3A_607 : i32
      %add3A_609 = arith.constant 2 : i32
      %add3A_610 = arith.addi %add3A_608, %add3A_609 : i32
      %dma_start3A_611 = arith.constant 3 : i32
      %dma_start3A_612 = arith.constant 3 : i32
      %dma_start3A_613 = arith.constant 0 : i32
      %dma_start3A_614 = arith.constant 0 : i32
      %dma_start3A_615 = tpu.memref_slice %arg6[%dma_start3A_611, %dma_start3A_613, %dma_start3A_614] : memref<4x128x128xf32, #tpu.memory_space<vmem>> -> memref<1x128x128xf32, #tpu.memory_space<vmem>>
      %dma_start3A_616 = tpu.memref_squeeze %dma_start3A_615 : memref<1x128x128xf32, #tpu.memory_space<vmem>> -> memref<128x128xf32, #tpu.memory_space<vmem>>
      %dma_start3A_617 = arith.constant 0 : i32
      %dma_start3A_618 = tpu.memref_slice %arg5[%add3A_610, %dma_start3A_617] : memref<200x128xi32, #tpu.memory_space<vmem>> -> memref<1x128xi32, #tpu.memory_space<vmem>>
      %dma_start3A_619 = tpu.memref_squeeze %dma_start3A_618 : memref<1x128xi32, #tpu.memory_space<vmem>> -> memref<128xi32, #tpu.memory_space<vmem>>
      %dma_start3A_620 = arith.constant 0 : i32
      %dma_start3A_621 = arith.constant 0 : i32
      %dma_start3A_622 = tpu.memref_slice %arg3[%dma_start3A_620, %dma_start3A_621] : memref<100000x128xf32, #tpu.memory_space<hbm>> -> memref<100000x128xf32, #tpu.memory_space<hbm>>
      %dma_start3A_623 = tpu.memref_slice %arg7[%dma_start3A_612] : memref<4x!tpu.dma_semaphore, #tpu.memory_space<semaphore_mem>> -> memref<1x!tpu.dma_semaphore, #tpu.memory_space<semaphore_mem>>
      %dma_start3A_624 = tpu.memref_squeeze %dma_start3A_623 : memref<1x!tpu.dma_semaphore, #tpu.memory_space<semaphore_mem>> -> memref<!tpu.dma_semaphore, #tpu.memory_space<semaphore_mem>>
      tpu.enqueue_indirect_dma source(%dma_start3A_622 : memref<100000x128xf32, #tpu.memory_space<hbm>>) target(%dma_start3A_616 : memref<128x128xf32, #tpu.memory_space<vmem>>) offsets(%dma_start3A_619 : memref<128xi32, #tpu.memory_space<vmem>>) semaphore(%dma_start3A_624 : memref<!tpu.dma_semaphore, #tpu.memory_space<semaphore_mem>>)
      %dma_wait3A_625 = arith.constant 0 : i32
      %dma_wait3A_626 = arith.constant 1 : i32
      %dma_wait3A_627 = arith.constant 1 : i32
      %dma_wait3A_628 = arith.constant 0 : i32
      %dma_wait3A_629 = arith.constant 0 : i32
      %dma_wait3A_630 = tpu.memref_slice %arg6[%dma_wait3A_626, %dma_wait3A_628, %dma_wait3A_629] : memref<4x128x128xf32, #tpu.memory_space<vmem>> -> memref<1x128x128xf32, #tpu.memory_space<vmem>>
      %dma_wait3A_631 = tpu.memref_squeeze %dma_wait3A_630 : memref<1x128x128xf32, #tpu.memory_space<vmem>> -> memref<128x128xf32, #tpu.memory_space<vmem>>
      %dma_wait3A_632 = arith.constant 0 : i32
      %dma_wait3A_633 = tpu.memref_slice %arg5[%dma_wait3A_625, %dma_wait3A_632] : memref<200x128xi32, #tpu.memory_space<vmem>> -> memref<1x128xi32, #tpu.memory_space<vmem>>
      %dma_wait3A_634 = tpu.memref_squeeze %dma_wait3A_633 : memref<1x128xi32, #tpu.memory_space<vmem>> -> memref<128xi32, #tpu.memory_space<vmem>>
      %dma_wait3A_635 = arith.constant 0 : i32
      %dma_wait3A_636 = arith.constant 0 : i32
      %dma_wait3A_637 = tpu.memref_slice %arg3[%dma_wait3A_635, %dma_wait3A_636] : memref<100000x128xf32, #tpu.memory_space<hbm>> -> memref<100000x128xf32, #tpu.memory_space<hbm>>
      %dma_wait3A_638 = tpu.memref_slice %arg7[%dma_wait3A_627] : memref<4x!tpu.dma_semaphore, #tpu.memory_space<semaphore_mem>> -> memref<1x!tpu.dma_semaphore, #tpu.memory_space<semaphore_mem>>
      %dma_wait3A_639 = tpu.memref_squeeze %dma_wait3A_638 : memref<1x!tpu.dma_semaphore, #tpu.memory_space<semaphore_mem>> -> memref<!tpu.dma_semaphore, #tpu.memory_space<semaphore_mem>>
      tpu.wait_indirect_dma semaphore(%dma_wait3A_639 : memref<!tpu.dma_semaphore, #tpu.memory_space<semaphore_mem>>) src(%dma_wait3A_637 : memref<100000x128xf32, #tpu.memory_space<hbm>>) dst(%dma_wait3A_631 : memref<128x128xf32, #tpu.memory_space<vmem>>)
      %add3A_640 = arith.constant 1 : i32
      %add3A_641 = arith.addi %mul3A_520, %add3A_640 : i32
      %mul3A_642 = arith.constant 128 : i32
      %mul3A_643 = arith.muli %add3A_641, %mul3A_642 : i32
      %add3A_644 = arith.addi %mul3A_2, %mul3A_643 : i32
      %dma_start3A_645 = arith.constant 1 : i32
      %dma_start3A_646 = arith.constant 1 : i32
      %dma_start3A_647 = arith.constant 0 : i32
      %dma_start3A_648 = arith.constant 0 : i32
      %dma_start3A_649 = tpu.memref_slice %arg6[%dma_start3A_645, %dma_start3A_647, %dma_start3A_648] : memref<4x128x128xf32, #tpu.memory_space<vmem>> -> memref<1x128x128xf32, #tpu.memory_space<vmem>>
      %dma_start3A_650 = tpu.memref_squeeze %dma_start3A_649 : memref<1x128x128xf32, #tpu.memory_space<vmem>> -> memref<128x128xf32, #tpu.memory_space<vmem>>
      %dma_start3A_651 = arith.constant 0 : i32
      %dma_start3A_652 = tpu.memref_slice %arg4[%add3A_644, %dma_start3A_651] : memref<819200x128xf32, #tpu.memory_space<hbm>> -> memref<128x128xf32, #tpu.memory_space<hbm>>
      %dma_start3A_653 = tpu.memref_slice %arg8[%dma_start3A_646] : memref<4x!tpu.dma_semaphore, #tpu.memory_space<semaphore_mem>> -> memref<1x!tpu.dma_semaphore, #tpu.memory_space<semaphore_mem>>
      %dma_start3A_654 = tpu.memref_squeeze %dma_start3A_653 : memref<1x!tpu.dma_semaphore, #tpu.memory_space<semaphore_mem>> -> memref<!tpu.dma_semaphore, #tpu.memory_space<semaphore_mem>>
      %dma_start3A_655 = arith.constant 0 : i32
      %dma_start3A_656 = tpu.memref_slice %arg4[%add3A_644, %dma_start3A_655] : memref<819200x128xf32, #tpu.memory_space<hbm>> -> memref<128x128xf32, #tpu.memory_space<hbm>>
      %dma_start3A_657 = arith.constant 0 : i32
      %dma_start3A_658 = arith.constant 0 : i32
      %dma_start3A_659 = tpu.memref_slice %arg6[%dma_start3A_645, %dma_start3A_657, %dma_start3A_658] : memref<4x128x128xf32, #tpu.memory_space<vmem>> -> memref<1x128x128xf32, #tpu.memory_space<vmem>>
      %dma_start3A_660 = tpu.memref_squeeze %dma_start3A_659 : memref<1x128x128xf32, #tpu.memory_space<vmem>> -> memref<128x128xf32, #tpu.memory_space<vmem>>
      tpu.enqueue_dma source(%dma_start3A_660 : memref<128x128xf32, #tpu.memory_space<vmem>>) target(%dma_start3A_656 : memref<128x128xf32, #tpu.memory_space<hbm>>) target_semaphore(%dma_start3A_654 : memref<!tpu.dma_semaphore, #tpu.memory_space<semaphore_mem>>)
      %dma_wait3A_661 = arith.constant 0 : i32
      %dma_wait3A_662 = arith.constant 0 : i32
      %dma_wait3A_663 = arith.constant 0 : i32
      %dma_wait3A_664 = arith.constant 0 : i32
      %dma_wait3A_665 = tpu.memref_slice %arg6[%dma_wait3A_661, %dma_wait3A_663, %dma_wait3A_664] : memref<4x128x128xf32, #tpu.memory_space<vmem>> -> memref<1x128x128xf32, #tpu.memory_space<vmem>>
      %dma_wait3A_666 = tpu.memref_squeeze %dma_wait3A_665 : memref<1x128x128xf32, #tpu.memory_space<vmem>> -> memref<128x128xf32, #tpu.memory_space<vmem>>
      %dma_wait3A_667 = arith.constant 0 : i32
      %dma_wait3A_668 = tpu.memref_slice %arg4[%mul3A_2, %dma_wait3A_667] : memref<819200x128xf32, #tpu.memory_space<hbm>> -> memref<128x128xf32, #tpu.memory_space<hbm>>
      %dma_wait3A_669 = tpu.memref_slice %arg8[%dma_wait3A_662] : memref<4x!tpu.dma_semaphore, #tpu.memory_space<semaphore_mem>> -> memref<1x!tpu.dma_semaphore, #tpu.memory_space<semaphore_mem>>
      %dma_wait3A_670 = tpu.memref_squeeze %dma_wait3A_669 : memref<1x!tpu.dma_semaphore, #tpu.memory_space<semaphore_mem>> -> memref<!tpu.dma_semaphore, #tpu.memory_space<semaphore_mem>>
      %dma_wait3A_671 = arith.constant 0 : i32
      %dma_wait3A_672 = tpu.memref_slice %arg4[%mul3A_2, %dma_wait3A_671] : memref<819200x128xf32, #tpu.memory_space<hbm>> -> memref<128x128xf32, #tpu.memory_space<hbm>>
      %dma_wait3A_673 = arith.constant 0 : i32
      %dma_wait3A_674 = arith.constant 0 : i32
      %dma_wait3A_675 = tpu.memref_slice %arg6[%dma_wait3A_661, %dma_wait3A_673, %dma_wait3A_674] : memref<4x128x128xf32, #tpu.memory_space<vmem>> -> memref<1x128x128xf32, #tpu.memory_space<vmem>>
      %dma_wait3A_676 = tpu.memref_squeeze %dma_wait3A_675 : memref<1x128x128xf32, #tpu.memory_space<vmem>> -> memref<128x128xf32, #tpu.memory_space<vmem>>
      tpu.wait_dma2 semaphore(%dma_wait3A_670 : memref<!tpu.dma_semaphore, #tpu.memory_space<semaphore_mem>>) src(%dma_wait3A_676 : memref<128x128xf32, #tpu.memory_space<vmem>>) dst(%dma_wait3A_672 : memref<128x128xf32, #tpu.memory_space<hbm>>)
      %add3A_677 = arith.constant 2 : i32
      %add3A_678 = arith.addi %mul3A_520, %add3A_677 : i32
      %add3A_679 = arith.constant 2 : i32
      %add3A_680 = arith.addi %add3A_678, %add3A_679 : i32
      %dma_start3A_681 = arith.constant 0 : i32
      %dma_start3A_682 = arith.constant 0 : i32
      %dma_start3A_683 = arith.constant 0 : i32
      %dma_start3A_684 = arith.constant 0 : i32
      %dma_start3A_685 = tpu.memref_slice %arg6[%dma_start3A_681, %dma_start3A_683, %dma_start3A_684] : memref<4x128x128xf32, #tpu.memory_space<vmem>> -> memref<1x128x128xf32, #tpu.memory_space<vmem>>
      %dma_start3A_686 = tpu.memref_squeeze %dma_start3A_685 : memref<1x128x128xf32, #tpu.memory_space<vmem>> -> memref<128x128xf32, #tpu.memory_space<vmem>>
      %dma_start3A_687 = arith.constant 0 : i32
      %dma_start3A_688 = tpu.memref_slice %arg5[%add3A_680, %dma_start3A_687] : memref<200x128xi32, #tpu.memory_space<vmem>> -> memref<1x128xi32, #tpu.memory_space<vmem>>
      %dma_start3A_689 = tpu.memref_squeeze %dma_start3A_688 : memref<1x128xi32, #tpu.memory_space<vmem>> -> memref<128xi32, #tpu.memory_space<vmem>>
      %dma_start3A_690 = arith.constant 0 : i32
      %dma_start3A_691 = arith.constant 0 : i32
      %dma_start3A_692 = tpu.memref_slice %arg3[%dma_start3A_690, %dma_start3A_691] : memref<100000x128xf32, #tpu.memory_space<hbm>> -> memref<100000x128xf32, #tpu.memory_space<hbm>>
      %dma_start3A_693 = tpu.memref_slice %arg7[%dma_start3A_682] : memref<4x!tpu.dma_semaphore, #tpu.memory_space<semaphore_mem>> -> memref<1x!tpu.dma_semaphore, #tpu.memory_space<semaphore_mem>>
      %dma_start3A_694 = tpu.memref_squeeze %dma_start3A_693 : memref<1x!tpu.dma_semaphore, #tpu.memory_space<semaphore_mem>> -> memref<!tpu.dma_semaphore, #tpu.memory_space<semaphore_mem>>
      tpu.enqueue_indirect_dma source(%dma_start3A_692 : memref<100000x128xf32, #tpu.memory_space<hbm>>) target(%dma_start3A_686 : memref<128x128xf32, #tpu.memory_space<vmem>>) offsets(%dma_start3A_689 : memref<128xi32, #tpu.memory_space<vmem>>) semaphore(%dma_start3A_694 : memref<!tpu.dma_semaphore, #tpu.memory_space<semaphore_mem>>)
      %dma_wait3A_695 = arith.constant 0 : i32
      %dma_wait3A_696 = arith.constant 2 : i32
      %dma_wait3A_697 = arith.constant 2 : i32
      %dma_wait3A_698 = arith.constant 0 : i32
      %dma_wait3A_699 = arith.constant 0 : i32
      %dma_wait3A_700 = tpu.memref_slice %arg6[%dma_wait3A_696, %dma_wait3A_698, %dma_wait3A_699] : memref<4x128x128xf32, #tpu.memory_space<vmem>> -> memref<1x128x128xf32, #tpu.memory_space<vmem>>
      %dma_wait3A_701 = tpu.memref_squeeze %dma_wait3A_700 : memref<1x128x128xf32, #tpu.memory_space<vmem>> -> memref<128x128xf32, #tpu.memory_space<vmem>>
      %dma_wait3A_702 = arith.constant 0 : i32
      %dma_wait3A_703 = tpu.memref_slice %arg5[%dma_wait3A_695, %dma_wait3A_702] : memref<200x128xi32, #tpu.memory_space<vmem>> -> memref<1x128xi32, #tpu.memory_space<vmem>>
      %dma_wait3A_704 = tpu.memref_squeeze %dma_wait3A_703 : memref<1x128xi32, #tpu.memory_space<vmem>> -> memref<128xi32, #tpu.memory_space<vmem>>
      %dma_wait3A_705 = arith.constant 0 : i32
      %dma_wait3A_706 = arith.constant 0 : i32
      %dma_wait3A_707 = tpu.memref_slice %arg3[%dma_wait3A_705, %dma_wait3A_706] : memref<100000x128xf32, #tpu.memory_space<hbm>> -> memref<100000x128xf32, #tpu.memory_space<hbm>>
      %dma_wait3A_708 = tpu.memref_slice %arg7[%dma_wait3A_697] : memref<4x!tpu.dma_semaphore, #tpu.memory_space<semaphore_mem>> -> memref<1x!tpu.dma_semaphore, #tpu.memory_space<semaphore_mem>>
      %dma_wait3A_709 = tpu.memref_squeeze %dma_wait3A_708 : memref<1x!tpu.dma_semaphore, #tpu.memory_space<semaphore_mem>> -> memref<!tpu.dma_semaphore, #tpu.memory_space<semaphore_mem>>
      tpu.wait_indirect_dma semaphore(%dma_wait3A_709 : memref<!tpu.dma_semaphore, #tpu.memory_space<semaphore_mem>>) src(%dma_wait3A_707 : memref<100000x128xf32, #tpu.memory_space<hbm>>) dst(%dma_wait3A_701 : memref<128x128xf32, #tpu.memory_space<vmem>>)
      %add3A_710 = arith.constant 2 : i32
      %add3A_711 = arith.addi %mul3A_520, %add3A_710 : i32
      %mul3A_712 = arith.constant 128 : i32
      %mul3A_713 = arith.muli %add3A_711, %mul3A_712 : i32
      %add3A_714 = arith.addi %mul3A_2, %mul3A_713 : i32
      %dma_start3A_715 = arith.constant 2 : i32
      %dma_start3A_716 = arith.constant 2 : i32
      %dma_start3A_717 = arith.constant 0 : i32
      %dma_start3A_718 = arith.constant 0 : i32
      %dma_start3A_719 = tpu.memref_slice %arg6[%dma_start3A_715, %dma_start3A_717, %dma_start3A_718] : memref<4x128x128xf32, #tpu.memory_space<vmem>> -> memref<1x128x128xf32, #tpu.memory_space<vmem>>
      %dma_start3A_720 = tpu.memref_squeeze %dma_start3A_719 : memref<1x128x128xf32, #tpu.memory_space<vmem>> -> memref<128x128xf32, #tpu.memory_space<vmem>>
      %dma_start3A_721 = arith.constant 0 : i32
      %dma_start3A_722 = tpu.memref_slice %arg4[%add3A_714, %dma_start3A_721] : memref<819200x128xf32, #tpu.memory_space<hbm>> -> memref<128x128xf32, #tpu.memory_space<hbm>>
      %dma_start3A_723 = tpu.memref_slice %arg8[%dma_start3A_716] : memref<4x!tpu.dma_semaphore, #tpu.memory_space<semaphore_mem>> -> memref<1x!tpu.dma_semaphore, #tpu.memory_space<semaphore_mem>>
      %dma_start3A_724 = tpu.memref_squeeze %dma_start3A_723 : memref<1x!tpu.dma_semaphore, #tpu.memory_space<semaphore_mem>> -> memref<!tpu.dma_semaphore, #tpu.memory_space<semaphore_mem>>
      %dma_start3A_725 = arith.constant 0 : i32
      %dma_start3A_726 = tpu.memref_slice %arg4[%add3A_714, %dma_start3A_725] : memref<819200x128xf32, #tpu.memory_space<hbm>> -> memref<128x128xf32, #tpu.memory_space<hbm>>
      %dma_start3A_727 = arith.constant 0 : i32
      %dma_start3A_728 = arith.constant 0 : i32
      %dma_start3A_729 = tpu.memref_slice %arg6[%dma_start3A_715, %dma_start3A_727, %dma_start3A_728] : memref<4x128x128xf32, #tpu.memory_space<vmem>> -> memref<1x128x128xf32, #tpu.memory_space<vmem>>
      %dma_start3A_730 = tpu.memref_squeeze %dma_start3A_729 : memref<1x128x128xf32, #tpu.memory_space<vmem>> -> memref<128x128xf32, #tpu.memory_space<vmem>>
      tpu.enqueue_dma source(%dma_start3A_730 : memref<128x128xf32, #tpu.memory_space<vmem>>) target(%dma_start3A_726 : memref<128x128xf32, #tpu.memory_space<hbm>>) target_semaphore(%dma_start3A_724 : memref<!tpu.dma_semaphore, #tpu.memory_space<semaphore_mem>>)
      %dma_wait3A_731 = arith.constant 1 : i32
      %dma_wait3A_732 = arith.constant 1 : i32
      %dma_wait3A_733 = arith.constant 0 : i32
      %dma_wait3A_734 = arith.constant 0 : i32
      %dma_wait3A_735 = tpu.memref_slice %arg6[%dma_wait3A_731, %dma_wait3A_733, %dma_wait3A_734] : memref<4x128x128xf32, #tpu.memory_space<vmem>> -> memref<1x128x128xf32, #tpu.memory_space<vmem>>
      %dma_wait3A_736 = tpu.memref_squeeze %dma_wait3A_735 : memref<1x128x128xf32, #tpu.memory_space<vmem>> -> memref<128x128xf32, #tpu.memory_space<vmem>>
      %dma_wait3A_737 = arith.constant 0 : i32
      %dma_wait3A_738 = tpu.memref_slice %arg4[%mul3A_2, %dma_wait3A_737] : memref<819200x128xf32, #tpu.memory_space<hbm>> -> memref<128x128xf32, #tpu.memory_space<hbm>>
      %dma_wait3A_739 = tpu.memref_slice %arg8[%dma_wait3A_732] : memref<4x!tpu.dma_semaphore, #tpu.memory_space<semaphore_mem>> -> memref<1x!tpu.dma_semaphore, #tpu.memory_space<semaphore_mem>>
      %dma_wait3A_740 = tpu.memref_squeeze %dma_wait3A_739 : memref<1x!tpu.dma_semaphore, #tpu.memory_space<semaphore_mem>> -> memref<!tpu.dma_semaphore, #tpu.memory_space<semaphore_mem>>
      %dma_wait3A_741 = arith.constant 0 : i32
      %dma_wait3A_742 = tpu.memref_slice %arg4[%mul3A_2, %dma_wait3A_741] : memref<819200x128xf32, #tpu.memory_space<hbm>> -> memref<128x128xf32, #tpu.memory_space<hbm>>
      %dma_wait3A_743 = arith.constant 0 : i32
      %dma_wait3A_744 = arith.constant 0 : i32
      %dma_wait3A_745 = tpu.memref_slice %arg6[%dma_wait3A_731, %dma_wait3A_743, %dma_wait3A_744] : memref<4x128x128xf32, #tpu.memory_space<vmem>> -> memref<1x128x128xf32, #tpu.memory_space<vmem>>
      %dma_wait3A_746 = tpu.memref_squeeze %dma_wait3A_745 : memref<1x128x128xf32, #tpu.memory_space<vmem>> -> memref<128x128xf32, #tpu.memory_space<vmem>>
      tpu.wait_dma2 semaphore(%dma_wait3A_740 : memref<!tpu.dma_semaphore, #tpu.memory_space<semaphore_mem>>) src(%dma_wait3A_746 : memref<128x128xf32, #tpu.memory_space<vmem>>) dst(%dma_wait3A_742 : memref<128x128xf32, #tpu.memory_space<hbm>>)
      %add3A_747 = arith.constant 3 : i32
      %add3A_748 = arith.addi %mul3A_520, %add3A_747 : i32
      %add3A_749 = arith.constant 2 : i32
      %add3A_750 = arith.addi %add3A_748, %add3A_749 : i32
      %dma_start3A_751 = arith.constant 1 : i32
      %dma_start3A_752 = arith.constant 1 : i32
      %dma_start3A_753 = arith.constant 0 : i32
      %dma_start3A_754 = arith.constant 0 : i32
      %dma_start3A_755 = tpu.memref_slice %arg6[%dma_start3A_751, %dma_start3A_753, %dma_start3A_754] : memref<4x128x128xf32, #tpu.memory_space<vmem>> -> memref<1x128x128xf32, #tpu.memory_space<vmem>>
      %dma_start3A_756 = tpu.memref_squeeze %dma_start3A_755 : memref<1x128x128xf32, #tpu.memory_space<vmem>> -> memref<128x128xf32, #tpu.memory_space<vmem>>
      %dma_start3A_757 = arith.constant 0 : i32
      %dma_start3A_758 = tpu.memref_slice %arg5[%add3A_750, %dma_start3A_757] : memref<200x128xi32, #tpu.memory_space<vmem>> -> memref<1x128xi32, #tpu.memory_space<vmem>>
      %dma_start3A_759 = tpu.memref_squeeze %dma_start3A_758 : memref<1x128xi32, #tpu.memory_space<vmem>> -> memref<128xi32, #tpu.memory_space<vmem>>
      %dma_start3A_760 = arith.constant 0 : i32
      %dma_start3A_761 = arith.constant 0 : i32
      %dma_start3A_762 = tpu.memref_slice %arg3[%dma_start3A_760, %dma_start3A_761] : memref<100000x128xf32, #tpu.memory_space<hbm>> -> memref<100000x128xf32, #tpu.memory_space<hbm>>
      %dma_start3A_763 = tpu.memref_slice %arg7[%dma_start3A_752] : memref<4x!tpu.dma_semaphore, #tpu.memory_space<semaphore_mem>> -> memref<1x!tpu.dma_semaphore, #tpu.memory_space<semaphore_mem>>
      %dma_start3A_764 = tpu.memref_squeeze %dma_start3A_763 : memref<1x!tpu.dma_semaphore, #tpu.memory_space<semaphore_mem>> -> memref<!tpu.dma_semaphore, #tpu.memory_space<semaphore_mem>>
      tpu.enqueue_indirect_dma source(%dma_start3A_762 : memref<100000x128xf32, #tpu.memory_space<hbm>>) target(%dma_start3A_756 : memref<128x128xf32, #tpu.memory_space<vmem>>) offsets(%dma_start3A_759 : memref<128xi32, #tpu.memory_space<vmem>>) semaphore(%dma_start3A_764 : memref<!tpu.dma_semaphore, #tpu.memory_space<semaphore_mem>>)
      %dma_wait3A_765 = arith.constant 0 : i32
      %dma_wait3A_766 = arith.constant 3 : i32
      %dma_wait3A_767 = arith.constant 3 : i32
      %dma_wait3A_768 = arith.constant 0 : i32
      %dma_wait3A_769 = arith.constant 0 : i32
      %dma_wait3A_770 = tpu.memref_slice %arg6[%dma_wait3A_766, %dma_wait3A_768, %dma_wait3A_769] : memref<4x128x128xf32, #tpu.memory_space<vmem>> -> memref<1x128x128xf32, #tpu.memory_space<vmem>>
      %dma_wait3A_771 = tpu.memref_squeeze %dma_wait3A_770 : memref<1x128x128xf32, #tpu.memory_space<vmem>> -> memref<128x128xf32, #tpu.memory_space<vmem>>
      %dma_wait3A_772 = arith.constant 0 : i32
      %dma_wait3A_773 = tpu.memref_slice %arg5[%dma_wait3A_765, %dma_wait3A_772] : memref<200x128xi32, #tpu.memory_space<vmem>> -> memref<1x128xi32, #tpu.memory_space<vmem>>
      %dma_wait3A_774 = tpu.memref_squeeze %dma_wait3A_773 : memref<1x128xi32, #tpu.memory_space<vmem>> -> memref<128xi32, #tpu.memory_space<vmem>>
      %dma_wait3A_775 = arith.constant 0 : i32
      %dma_wait3A_776 = arith.constant 0 : i32
      %dma_wait3A_777 = tpu.memref_slice %arg3[%dma_wait3A_775, %dma_wait3A_776] : memref<100000x128xf32, #tpu.memory_space<hbm>> -> memref<100000x128xf32, #tpu.memory_space<hbm>>
      %dma_wait3A_778 = tpu.memref_slice %arg7[%dma_wait3A_767] : memref<4x!tpu.dma_semaphore, #tpu.memory_space<semaphore_mem>> -> memref<1x!tpu.dma_semaphore, #tpu.memory_space<semaphore_mem>>
      %dma_wait3A_779 = tpu.memref_squeeze %dma_wait3A_778 : memref<1x!tpu.dma_semaphore, #tpu.memory_space<semaphore_mem>> -> memref<!tpu.dma_semaphore, #tpu.memory_space<semaphore_mem>>
      tpu.wait_indirect_dma semaphore(%dma_wait3A_779 : memref<!tpu.dma_semaphore, #tpu.memory_space<semaphore_mem>>) src(%dma_wait3A_777 : memref<100000x128xf32, #tpu.memory_space<hbm>>) dst(%dma_wait3A_771 : memref<128x128xf32, #tpu.memory_space<vmem>>)
      %add3A_780 = arith.constant 3 : i32
      %add3A_781 = arith.addi %mul3A_520, %add3A_780 : i32
      %mul3A_782 = arith.constant 128 : i32
      %mul3A_783 = arith.muli %add3A_781, %mul3A_782 : i32
      %add3A_784 = arith.addi %mul3A_2, %mul3A_783 : i32
      %dma_start3A_785 = arith.constant 3 : i32
      %dma_start3A_786 = arith.constant 3 : i32
      %dma_start3A_787 = arith.constant 0 : i32
      %dma_start3A_788 = arith.constant 0 : i32
      %dma_start3A_789 = tpu.memref_slice %arg6[%dma_start3A_785, %dma_start3A_787, %dma_start3A_788] : memref<4x128x128xf32, #tpu.memory_space<vmem>> -> memref<1x128x128xf32, #tpu.memory_space<vmem>>
      %dma_start3A_790 = tpu.memref_squeeze %dma_start3A_789 : memref<1x128x128xf32, #tpu.memory_space<vmem>> -> memref<128x128xf32, #tpu.memory_space<vmem>>
      %dma_start3A_791 = arith.constant 0 : i32
      %dma_start3A_792 = tpu.memref_slice %arg4[%add3A_784, %dma_start3A_791] : memref<819200x128xf32, #tpu.memory_space<hbm>> -> memref<128x128xf32, #tpu.memory_space<hbm>>
      %dma_start3A_793 = tpu.memref_slice %arg8[%dma_start3A_786] : memref<4x!tpu.dma_semaphore, #tpu.memory_space<semaphore_mem>> -> memref<1x!tpu.dma_semaphore, #tpu.memory_space<semaphore_mem>>
      %dma_start3A_794 = tpu.memref_squeeze %dma_start3A_793 : memref<1x!tpu.dma_semaphore, #tpu.memory_space<semaphore_mem>> -> memref<!tpu.dma_semaphore, #tpu.memory_space<semaphore_mem>>
      %dma_start3A_795 = arith.constant 0 : i32
      %dma_start3A_796 = tpu.memref_slice %arg4[%add3A_784, %dma_start3A_795] : memref<819200x128xf32, #tpu.memory_space<hbm>> -> memref<128x128xf32, #tpu.memory_space<hbm>>
      %dma_start3A_797 = arith.constant 0 : i32
      %dma_start3A_798 = arith.constant 0 : i32
      %dma_start3A_799 = tpu.memref_slice %arg6[%dma_start3A_785, %dma_start3A_797, %dma_start3A_798] : memref<4x128x128xf32, #tpu.memory_space<vmem>> -> memref<1x128x128xf32, #tpu.memory_space<vmem>>
      %dma_start3A_800 = tpu.memref_squeeze %dma_start3A_799 : memref<1x128x128xf32, #tpu.memory_space<vmem>> -> memref<128x128xf32, #tpu.memory_space<vmem>>
      tpu.enqueue_dma source(%dma_start3A_800 : memref<128x128xf32, #tpu.memory_space<vmem>>) target(%dma_start3A_796 : memref<128x128xf32, #tpu.memory_space<hbm>>) target_semaphore(%dma_start3A_794 : memref<!tpu.dma_semaphore, #tpu.memory_space<semaphore_mem>>)
    }
    %scan3A_259 = arith.constant 48 : i32
    %dma_wait3A_260 = arith.constant 2 : i32
    %dma_wait3A_261 = arith.constant 2 : i32
    %dma_wait3A_262 = arith.constant 0 : i32
    %dma_wait3A_263 = arith.constant 0 : i32
    %dma_wait3A_264 = tpu.memref_slice %arg6[%dma_wait3A_260, %dma_wait3A_262, %dma_wait3A_263] : memref<4x128x128xf32, #tpu.memory_space<vmem>> -> memref<1x128x128xf32, #tpu.memory_space<vmem>>
    %dma_wait3A_265 = tpu.memref_squeeze %dma_wait3A_264 : memref<1x128x128xf32, #tpu.memory_space<vmem>> -> memref<128x128xf32, #tpu.memory_space<vmem>>
    %dma_wait3A_266 = arith.constant 0 : i32
    %dma_wait3A_267 = tpu.memref_slice %arg4[%mul3A_2, %dma_wait3A_266] : memref<819200x128xf32, #tpu.memory_space<hbm>> -> memref<128x128xf32, #tpu.memory_space<hbm>>
    %dma_wait3A_268 = tpu.memref_slice %arg8[%dma_wait3A_261] : memref<4x!tpu.dma_semaphore, #tpu.memory_space<semaphore_mem>> -> memref<1x!tpu.dma_semaphore, #tpu.memory_space<semaphore_mem>>
    %dma_wait3A_269 = tpu.memref_squeeze %dma_wait3A_268 : memref<1x!tpu.dma_semaphore, #tpu.memory_space<semaphore_mem>> -> memref<!tpu.dma_semaphore, #tpu.memory_space<semaphore_mem>>
    %dma_wait3A_270 = arith.constant 0 : i32
    %dma_wait3A_271 = tpu.memref_slice %arg4[%mul3A_2, %dma_wait3A_270] : memref<819200x128xf32, #tpu.memory_space<hbm>> -> memref<128x128xf32, #tpu.memory_space<hbm>>
    %dma_wait3A_272 = arith.constant 0 : i32
    %dma_wait3A_273 = arith.constant 0 : i32
    %dma_wait3A_274 = tpu.memref_slice %arg6[%dma_wait3A_260, %dma_wait3A_272, %dma_wait3A_273] : memref<4x128x128xf32, #tpu.memory_space<vmem>> -> memref<1x128x128xf32, #tpu.memory_space<vmem>>
    %dma_wait3A_275 = tpu.memref_squeeze %dma_wait3A_274 : memref<1x128x128xf32, #tpu.memory_space<vmem>> -> memref<128x128xf32, #tpu.memory_space<vmem>>
    tpu.wait_dma2 semaphore(%dma_wait3A_269 : memref<!tpu.dma_semaphore, #tpu.memory_space<semaphore_mem>>) src(%dma_wait3A_275 : memref<128x128xf32, #tpu.memory_space<vmem>>) dst(%dma_wait3A_271 : memref<128x128xf32, #tpu.memory_space<hbm>>)
    %dma_start3A_276 = arith.constant 198 : i32
    %dma_start3A_277 = arith.constant 2 : i32
    %dma_start3A_278 = arith.constant 2 : i32
    %dma_start3A_279 = arith.constant 0 : i32
    %dma_start3A_280 = arith.constant 0 : i32
    %dma_start3A_281 = tpu.memref_slice %arg6[%dma_start3A_277, %dma_start3A_279, %dma_start3A_280] : memref<4x128x128xf32, #tpu.memory_space<vmem>> -> memref<1x128x128xf32, #tpu.memory_space<vmem>>
    %dma_start3A_282 = tpu.memref_squeeze %dma_start3A_281 : memref<1x128x128xf32, #tpu.memory_space<vmem>> -> memref<128x128xf32, #tpu.memory_space<vmem>>
    %dma_start3A_283 = arith.constant 0 : i32
    %dma_start3A_284 = tpu.memref_slice %arg5[%dma_start3A_276, %dma_start3A_283] : memref<200x128xi32, #tpu.memory_space<vmem>> -> memref<1x128xi32, #tpu.memory_space<vmem>>
    %dma_start3A_285 = tpu.memref_squeeze %dma_start3A_284 : memref<1x128xi32, #tpu.memory_space<vmem>> -> memref<128xi32, #tpu.memory_space<vmem>>
    %dma_start3A_286 = arith.constant 0 : i32
    %dma_start3A_287 = arith.constant 0 : i32
    %dma_start3A_288 = tpu.memref_slice %arg3[%dma_start3A_286, %dma_start3A_287] : memref<100000x128xf32, #tpu.memory_space<hbm>> -> memref<100000x128xf32, #tpu.memory_space<hbm>>
    %dma_start3A_289 = tpu.memref_slice %arg7[%dma_start3A_278] : memref<4x!tpu.dma_semaphore, #tpu.memory_space<semaphore_mem>> -> memref<1x!tpu.dma_semaphore, #tpu.memory_space<semaphore_mem>>
    %dma_start3A_290 = tpu.memref_squeeze %dma_start3A_289 : memref<1x!tpu.dma_semaphore, #tpu.memory_space<semaphore_mem>> -> memref<!tpu.dma_semaphore, #tpu.memory_space<semaphore_mem>>
    tpu.enqueue_indirect_dma source(%dma_start3A_288 : memref<100000x128xf32, #tpu.memory_space<hbm>>) target(%dma_start3A_282 : memref<128x128xf32, #tpu.memory_space<vmem>>) offsets(%dma_start3A_285 : memref<128xi32, #tpu.memory_space<vmem>>) semaphore(%dma_start3A_290 : memref<!tpu.dma_semaphore, #tpu.memory_space<semaphore_mem>>)
    %dma_wait3A_291 = arith.constant 0 : i32
    %dma_wait3A_292 = arith.constant 0 : i32
    %dma_wait3A_293 = arith.constant 0 : i32
    %dma_wait3A_294 = arith.constant 0 : i32
    %dma_wait3A_295 = arith.constant 0 : i32
    %dma_wait3A_296 = tpu.memref_slice %arg6[%dma_wait3A_292, %dma_wait3A_294, %dma_wait3A_295] : memref<4x128x128xf32, #tpu.memory_space<vmem>> -> memref<1x128x128xf32, #tpu.memory_space<vmem>>
    %dma_wait3A_297 = tpu.memref_squeeze %dma_wait3A_296 : memref<1x128x128xf32, #tpu.memory_space<vmem>> -> memref<128x128xf32, #tpu.memory_space<vmem>>
    %dma_wait3A_298 = arith.constant 0 : i32
    %dma_wait3A_299 = tpu.memref_slice %arg5[%dma_wait3A_291, %dma_wait3A_298] : memref<200x128xi32, #tpu.memory_space<vmem>> -> memref<1x128xi32, #tpu.memory_space<vmem>>
    %dma_wait3A_300 = tpu.memref_squeeze %dma_wait3A_299 : memref<1x128xi32, #tpu.memory_space<vmem>> -> memref<128xi32, #tpu.memory_space<vmem>>
    %dma_wait3A_301 = arith.constant 0 : i32
    %dma_wait3A_302 = arith.constant 0 : i32
    %dma_wait3A_303 = tpu.memref_slice %arg3[%dma_wait3A_301, %dma_wait3A_302] : memref<100000x128xf32, #tpu.memory_space<hbm>> -> memref<100000x128xf32, #tpu.memory_space<hbm>>
    %dma_wait3A_304 = tpu.memref_slice %arg7[%dma_wait3A_293] : memref<4x!tpu.dma_semaphore, #tpu.memory_space<semaphore_mem>> -> memref<1x!tpu.dma_semaphore, #tpu.memory_space<semaphore_mem>>
    %dma_wait3A_305 = tpu.memref_squeeze %dma_wait3A_304 : memref<1x!tpu.dma_semaphore, #tpu.memory_space<semaphore_mem>> -> memref<!tpu.dma_semaphore, #tpu.memory_space<semaphore_mem>>
    tpu.wait_indirect_dma semaphore(%dma_wait3A_305 : memref<!tpu.dma_semaphore, #tpu.memory_space<semaphore_mem>>) src(%dma_wait3A_303 : memref<100000x128xf32, #tpu.memory_space<hbm>>) dst(%dma_wait3A_297 : memref<128x128xf32, #tpu.memory_space<vmem>>)
    %add3A_306 = arith.constant 25088 : i32
    %add3A_307 = arith.addi %mul3A_2, %add3A_306 : i32
    %dma_start3A_308 = arith.constant 0 : i32
    %dma_start3A_309 = arith.constant 0 : i32
    %dma_start3A_310 = arith.constant 0 : i32
    %dma_start3A_311 = arith.constant 0 : i32
    %dma_start3A_312 = tpu.memref_slice %arg6[%dma_start3A_308, %dma_start3A_310, %dma_start3A_311] : memref<4x128x128xf32, #tpu.memory_space<vmem>> -> memref<1x128x128xf32, #tpu.memory_space<vmem>>
    %dma_start3A_313 = tpu.memref_squeeze %dma_start3A_312 : memref<1x128x128xf32, #tpu.memory_space<vmem>> -> memref<128x128xf32, #tpu.memory_space<vmem>>
    %dma_start3A_314 = arith.constant 0 : i32
    %dma_start3A_315 = tpu.memref_slice %arg4[%add3A_307, %dma_start3A_314] : memref<819200x128xf32, #tpu.memory_space<hbm>> -> memref<128x128xf32, #tpu.memory_space<hbm>>
    %dma_start3A_316 = tpu.memref_slice %arg8[%dma_start3A_309] : memref<4x!tpu.dma_semaphore, #tpu.memory_space<semaphore_mem>> -> memref<1x!tpu.dma_semaphore, #tpu.memory_space<semaphore_mem>>
    %dma_start3A_317 = tpu.memref_squeeze %dma_start3A_316 : memref<1x!tpu.dma_semaphore, #tpu.memory_space<semaphore_mem>> -> memref<!tpu.dma_semaphore, #tpu.memory_space<semaphore_mem>>
    %dma_start3A_318 = arith.constant 0 : i32
    %dma_start3A_319 = tpu.memref_slice %arg4[%add3A_307, %dma_start3A_318] : memref<819200x128xf32, #tpu.memory_space<hbm>> -> memref<128x128xf32, #tpu.memory_space<hbm>>
    %dma_start3A_320 = arith.constant 0 : i32
    %dma_start3A_321 = arith.constant 0 : i32
    %dma_start3A_322 = tpu.memref_slice %arg6[%dma_start3A_308, %dma_start3A_320, %dma_start3A_321] : memref<4x128x128xf32, #tpu.memory_space<vmem>> -> memref<1x128x128xf32, #tpu.memory_space<vmem>>
    %dma_start3A_323 = tpu.memref_squeeze %dma_start3A_322 : memref<1x128x128xf32, #tpu.memory_space<vmem>> -> memref<128x128xf32, #tpu.memory_space<vmem>>
    tpu.enqueue_dma source(%dma_start3A_323 : memref<128x128xf32, #tpu.memory_space<vmem>>) target(%dma_start3A_319 : memref<128x128xf32, #tpu.memory_space<hbm>>) target_semaphore(%dma_start3A_317 : memref<!tpu.dma_semaphore, #tpu.memory_space<semaphore_mem>>)
    %dma_wait3A_324 = arith.constant 3 : i32
    %dma_wait3A_325 = arith.constant 3 : i32
    %dma_wait3A_326 = arith.constant 0 : i32
    %dma_wait3A_327 = arith.constant 0 : i32
    %dma_wait3A_328 = tpu.memref_slice %arg6[%dma_wait3A_324, %dma_wait3A_326, %dma_wait3A_327] : memref<4x128x128xf32, #tpu.memory_space<vmem>> -> memref<1x128x128xf32, #tpu.memory_space<vmem>>
    %dma_wait3A_329 = tpu.memref_squeeze %dma_wait3A_328 : memref<1x128x128xf32, #tpu.memory_space<vmem>> -> memref<128x128xf32, #tpu.memory_space<vmem>>
    %dma_wait3A_330 = arith.constant 0 : i32
    %dma_wait3A_331 = tpu.memref_slice %arg4[%mul3A_2, %dma_wait3A_330] : memref<819200x128xf32, #tpu.memory_space<hbm>> -> memref<128x128xf32, #tpu.memory_space<hbm>>
    %dma_wait3A_332 = tpu.memref_slice %arg8[%dma_wait3A_325] : memref<4x!tpu.dma_semaphore, #tpu.memory_space<semaphore_mem>> -> memref<1x!tpu.dma_semaphore, #tpu.memory_space<semaphore_mem>>
    %dma_wait3A_333 = tpu.memref_squeeze %dma_wait3A_332 : memref<1x!tpu.dma_semaphore, #tpu.memory_space<semaphore_mem>> -> memref<!tpu.dma_semaphore, #tpu.memory_space<semaphore_mem>>
    %dma_wait3A_334 = arith.constant 0 : i32
    %dma_wait3A_335 = tpu.memref_slice %arg4[%mul3A_2, %dma_wait3A_334] : memref<819200x128xf32, #tpu.memory_space<hbm>> -> memref<128x128xf32, #tpu.memory_space<hbm>>
    %dma_wait3A_336 = arith.constant 0 : i32
    %dma_wait3A_337 = arith.constant 0 : i32
    %dma_wait3A_338 = tpu.memref_slice %arg6[%dma_wait3A_324, %dma_wait3A_336, %dma_wait3A_337] : memref<4x128x128xf32, #tpu.memory_space<vmem>> -> memref<1x128x128xf32, #tpu.memory_space<vmem>>
    %dma_wait3A_339 = tpu.memref_squeeze %dma_wait3A_338 : memref<1x128x128xf32, #tpu.memory_space<vmem>> -> memref<128x128xf32, #tpu.memory_space<vmem>>
    tpu.wait_dma2 semaphore(%dma_wait3A_333 : memref<!tpu.dma_semaphore, #tpu.memory_space<semaphore_mem>>) src(%dma_wait3A_339 : memref<128x128xf32, #tpu.memory_space<vmem>>) dst(%dma_wait3A_335 : memref<128x128xf32, #tpu.memory_space<hbm>>)
    %dma_start3A_340 = arith.constant 199 : i32
    %dma_start3A_341 = arith.constant 3 : i32
    %dma_start3A_342 = arith.constant 3 : i32
    %dma_start3A_343 = arith.constant 0 : i32
    %dma_start3A_344 = arith.constant 0 : i32
    %dma_start3A_345 = tpu.memref_slice %arg6[%dma_start3A_341, %dma_start3A_343, %dma_start3A_344] : memref<4x128x128xf32, #tpu.memory_space<vmem>> -> memref<1x128x128xf32, #tpu.memory_space<vmem>>
    %dma_start3A_346 = tpu.memref_squeeze %dma_start3A_345 : memref<1x128x128xf32, #tpu.memory_space<vmem>> -> memref<128x128xf32, #tpu.memory_space<vmem>>
    %dma_start3A_347 = arith.constant 0 : i32
    %dma_start3A_348 = tpu.memref_slice %arg5[%dma_start3A_340, %dma_start3A_347] : memref<200x128xi32, #tpu.memory_space<vmem>> -> memref<1x128xi32, #tpu.memory_space<vmem>>
    %dma_start3A_349 = tpu.memref_squeeze %dma_start3A_348 : memref<1x128xi32, #tpu.memory_space<vmem>> -> memref<128xi32, #tpu.memory_space<vmem>>
    %dma_start3A_350 = arith.constant 0 : i32
    %dma_start3A_351 = arith.constant 0 : i32
    %dma_start3A_352 = tpu.memref_slice %arg3[%dma_start3A_350, %dma_start3A_351] : memref<100000x128xf32, #tpu.memory_space<hbm>> -> memref<100000x128xf32, #tpu.memory_space<hbm>>
    %dma_start3A_353 = tpu.memref_slice %arg7[%dma_start3A_342] : memref<4x!tpu.dma_semaphore, #tpu.memory_space<semaphore_mem>> -> memref<1x!tpu.dma_semaphore, #tpu.memory_space<semaphore_mem>>
    %dma_start3A_354 = tpu.memref_squeeze %dma_start3A_353 : memref<1x!tpu.dma_semaphore, #tpu.memory_space<semaphore_mem>> -> memref<!tpu.dma_semaphore, #tpu.memory_space<semaphore_mem>>
    tpu.enqueue_indirect_dma source(%dma_start3A_352 : memref<100000x128xf32, #tpu.memory_space<hbm>>) target(%dma_start3A_346 : memref<128x128xf32, #tpu.memory_space<vmem>>) offsets(%dma_start3A_349 : memref<128xi32, #tpu.memory_space<vmem>>) semaphore(%dma_start3A_354 : memref<!tpu.dma_semaphore, #tpu.memory_space<semaphore_mem>>)
    %dma_wait3A_355 = arith.constant 0 : i32
    %dma_wait3A_356 = arith.constant 1 : i32
    %dma_wait3A_357 = arith.constant 1 : i32
    %dma_wait3A_358 = arith.constant 0 : i32
    %dma_wait3A_359 = arith.constant 0 : i32
    %dma_wait3A_360 = tpu.memref_slice %arg6[%dma_wait3A_356, %dma_wait3A_358, %dma_wait3A_359] : memref<4x128x128xf32, #tpu.memory_space<vmem>> -> memref<1x128x128xf32, #tpu.memory_space<vmem>>
    %dma_wait3A_361 = tpu.memref_squeeze %dma_wait3A_360 : memref<1x128x128xf32, #tpu.memory_space<vmem>> -> memref<128x128xf32, #tpu.memory_space<vmem>>
    %dma_wait3A_362 = arith.constant 0 : i32
    %dma_wait3A_363 = tpu.memref_slice %arg5[%dma_wait3A_355, %dma_wait3A_362] : memref<200x128xi32, #tpu.memory_space<vmem>> -> memref<1x128xi32, #tpu.memory_space<vmem>>
    %dma_wait3A_364 = tpu.memref_squeeze %dma_wait3A_363 : memref<1x128xi32, #tpu.memory_space<vmem>> -> memref<128xi32, #tpu.memory_space<vmem>>
    %dma_wait3A_365 = arith.constant 0 : i32
    %dma_wait3A_366 = arith.constant 0 : i32
    %dma_wait3A_367 = tpu.memref_slice %arg3[%dma_wait3A_365, %dma_wait3A_366] : memref<100000x128xf32, #tpu.memory_space<hbm>> -> memref<100000x128xf32, #tpu.memory_space<hbm>>
    %dma_wait3A_368 = tpu.memref_slice %arg7[%dma_wait3A_357] : memref<4x!tpu.dma_semaphore, #tpu.memory_space<semaphore_mem>> -> memref<1x!tpu.dma_semaphore, #tpu.memory_space<semaphore_mem>>
    %dma_wait3A_369 = tpu.memref_squeeze %dma_wait3A_368 : memref<1x!tpu.dma_semaphore, #tpu.memory_space<semaphore_mem>> -> memref<!tpu.dma_semaphore, #tpu.memory_space<semaphore_mem>>
    tpu.wait_indirect_dma semaphore(%dma_wait3A_369 : memref<!tpu.dma_semaphore, #tpu.memory_space<semaphore_mem>>) src(%dma_wait3A_367 : memref<100000x128xf32, #tpu.memory_space<hbm>>) dst(%dma_wait3A_361 : memref<128x128xf32, #tpu.memory_space<vmem>>)
    %add3A_370 = arith.constant 25216 : i32
    %add3A_371 = arith.addi %mul3A_2, %add3A_370 : i32
    %dma_start3A_372 = arith.constant 1 : i32
    %dma_start3A_373 = arith.constant 1 : i32
    %dma_start3A_374 = arith.constant 0 : i32
    %dma_start3A_375 = arith.constant 0 : i32
    %dma_start3A_376 = tpu.memref_slice %arg6[%dma_start3A_372, %dma_start3A_374, %dma_start3A_375] : memref<4x128x128xf32, #tpu.memory_space<vmem>> -> memref<1x128x128xf32, #tpu.memory_space<vmem>>
    %dma_start3A_377 = tpu.memref_squeeze %dma_start3A_376 : memref<1x128x128xf32, #tpu.memory_space<vmem>> -> memref<128x128xf32, #tpu.memory_space<vmem>>
    %dma_start3A_378 = arith.constant 0 : i32
    %dma_start3A_379 = tpu.memref_slice %arg4[%add3A_371, %dma_start3A_378] : memref<819200x128xf32, #tpu.memory_space<hbm>> -> memref<128x128xf32, #tpu.memory_space<hbm>>
    %dma_start3A_380 = tpu.memref_slice %arg8[%dma_start3A_373] : memref<4x!tpu.dma_semaphore, #tpu.memory_space<semaphore_mem>> -> memref<1x!tpu.dma_semaphore, #tpu.memory_space<semaphore_mem>>
    %dma_start3A_381 = tpu.memref_squeeze %dma_start3A_380 : memref<1x!tpu.dma_semaphore, #tpu.memory_space<semaphore_mem>> -> memref<!tpu.dma_semaphore, #tpu.memory_space<semaphore_mem>>
    %dma_start3A_382 = arith.constant 0 : i32
    %dma_start3A_383 = tpu.memref_slice %arg4[%add3A_371, %dma_start3A_382] : memref<819200x128xf32, #tpu.memory_space<hbm>> -> memref<128x128xf32, #tpu.memory_space<hbm>>
    %dma_start3A_384 = arith.constant 0 : i32
    %dma_start3A_385 = arith.constant 0 : i32
    %dma_start3A_386 = tpu.memref_slice %arg6[%dma_start3A_372, %dma_start3A_384, %dma_start3A_385] : memref<4x128x128xf32, #tpu.memory_space<vmem>> -> memref<1x128x128xf32, #tpu.memory_space<vmem>>
    %dma_start3A_387 = tpu.memref_squeeze %dma_start3A_386 : memref<1x128x128xf32, #tpu.memory_space<vmem>> -> memref<128x128xf32, #tpu.memory_space<vmem>>
    tpu.enqueue_dma source(%dma_start3A_387 : memref<128x128xf32, #tpu.memory_space<vmem>>) target(%dma_start3A_383 : memref<128x128xf32, #tpu.memory_space<hbm>>) target_semaphore(%dma_start3A_381 : memref<!tpu.dma_semaphore, #tpu.memory_space<semaphore_mem>>)
    %dma_wait3A_388 = arith.constant 0 : i32
    %dma_wait3A_389 = arith.constant 2 : i32
    %dma_wait3A_390 = arith.constant 2 : i32
    %dma_wait3A_391 = arith.constant 0 : i32
    %dma_wait3A_392 = arith.constant 0 : i32
    %dma_wait3A_393 = tpu.memref_slice %arg6[%dma_wait3A_389, %dma_wait3A_391, %dma_wait3A_392] : memref<4x128x128xf32, #tpu.memory_space<vmem>> -> memref<1x128x128xf32, #tpu.memory_space<vmem>>
    %dma_wait3A_394 = tpu.memref_squeeze %dma_wait3A_393 : memref<1x128x128xf32, #tpu.memory_space<vmem>> -> memref<128x128xf32, #tpu.memory_space<vmem>>
    %dma_wait3A_395 = arith.constant 0 : i32
    %dma_wait3A_396 = tpu.memref_slice %arg5[%dma_wait3A_388, %dma_wait3A_395] : memref<200x128xi32, #tpu.memory_space<vmem>> -> memref<1x128xi32, #tpu.memory_space<vmem>>
    %dma_wait3A_397 = tpu.memref_squeeze %dma_wait3A_396 : memref<1x128xi32, #tpu.memory_space<vmem>> -> memref<128xi32, #tpu.memory_space<vmem>>
    %dma_wait3A_398 = arith.constant 0 : i32
    %dma_wait3A_399 = arith.constant 0 : i32
    %dma_wait3A_400 = tpu.memref_slice %arg3[%dma_wait3A_398, %dma_wait3A_399] : memref<100000x128xf32, #tpu.memory_space<hbm>> -> memref<100000x128xf32, #tpu.memory_space<hbm>>
    %dma_wait3A_401 = tpu.memref_slice %arg7[%dma_wait3A_390] : memref<4x!tpu.dma_semaphore, #tpu.memory_space<semaphore_mem>> -> memref<1x!tpu.dma_semaphore, #tpu.memory_space<semaphore_mem>>
    %dma_wait3A_402 = tpu.memref_squeeze %dma_wait3A_401 : memref<1x!tpu.dma_semaphore, #tpu.memory_space<semaphore_mem>> -> memref<!tpu.dma_semaphore, #tpu.memory_space<semaphore_mem>>
    tpu.wait_indirect_dma semaphore(%dma_wait3A_402 : memref<!tpu.dma_semaphore, #tpu.memory_space<semaphore_mem>>) src(%dma_wait3A_400 : memref<100000x128xf32, #tpu.memory_space<hbm>>) dst(%dma_wait3A_394 : memref<128x128xf32, #tpu.memory_space<vmem>>)
    %add3A_403 = arith.constant 25344 : i32
    %add3A_404 = arith.addi %mul3A_2, %add3A_403 : i32
    %dma_start3A_405 = arith.constant 2 : i32
    %dma_start3A_406 = arith.constant 2 : i32
    %dma_start3A_407 = arith.constant 0 : i32
    %dma_start3A_408 = arith.constant 0 : i32
    %dma_start3A_409 = tpu.memref_slice %arg6[%dma_start3A_405, %dma_start3A_407, %dma_start3A_408] : memref<4x128x128xf32, #tpu.memory_space<vmem>> -> memref<1x128x128xf32, #tpu.memory_space<vmem>>
    %dma_start3A_410 = tpu.memref_squeeze %dma_start3A_409 : memref<1x128x128xf32, #tpu.memory_space<vmem>> -> memref<128x128xf32, #tpu.memory_space<vmem>>
    %dma_start3A_411 = arith.constant 0 : i32
    %dma_start3A_412 = tpu.memref_slice %arg4[%add3A_404, %dma_start3A_411] : memref<819200x128xf32, #tpu.memory_space<hbm>> -> memref<128x128xf32, #tpu.memory_space<hbm>>
    %dma_start3A_413 = tpu.memref_slice %arg8[%dma_start3A_406] : memref<4x!tpu.dma_semaphore, #tpu.memory_space<semaphore_mem>> -> memref<1x!tpu.dma_semaphore, #tpu.memory_space<semaphore_mem>>
    %dma_start3A_414 = tpu.memref_squeeze %dma_start3A_413 : memref<1x!tpu.dma_semaphore, #tpu.memory_space<semaphore_mem>> -> memref<!tpu.dma_semaphore, #tpu.memory_space<semaphore_mem>>
    %dma_start3A_415 = arith.constant 0 : i32
    %dma_start3A_416 = tpu.memref_slice %arg4[%add3A_404, %dma_start3A_415] : memref<819200x128xf32, #tpu.memory_space<hbm>> -> memref<128x128xf32, #tpu.memory_space<hbm>>
    %dma_start3A_417 = arith.constant 0 : i32
    %dma_start3A_418 = arith.constant 0 : i32
    %dma_start3A_419 = tpu.memref_slice %arg6[%dma_start3A_405, %dma_start3A_417, %dma_start3A_418] : memref<4x128x128xf32, #tpu.memory_space<vmem>> -> memref<1x128x128xf32, #tpu.memory_space<vmem>>
    %dma_start3A_420 = tpu.memref_squeeze %dma_start3A_419 : memref<1x128x128xf32, #tpu.memory_space<vmem>> -> memref<128x128xf32, #tpu.memory_space<vmem>>
    tpu.enqueue_dma source(%dma_start3A_420 : memref<128x128xf32, #tpu.memory_space<vmem>>) target(%dma_start3A_416 : memref<128x128xf32, #tpu.memory_space<hbm>>) target_semaphore(%dma_start3A_414 : memref<!tpu.dma_semaphore, #tpu.memory_space<semaphore_mem>>)
    %dma_wait3A_421 = arith.constant 0 : i32
    %dma_wait3A_422 = arith.constant 3 : i32
    %dma_wait3A_423 = arith.constant 3 : i32
    %dma_wait3A_424 = arith.constant 0 : i32
    %dma_wait3A_425 = arith.constant 0 : i32
    %dma_wait3A_426 = tpu.memref_slice %arg6[%dma_wait3A_422, %dma_wait3A_424, %dma_wait3A_425] : memref<4x128x128xf32, #tpu.memory_space<vmem>> -> memref<1x128x128xf32, #tpu.memory_space<vmem>>
    %dma_wait3A_427 = tpu.memref_squeeze %dma_wait3A_426 : memref<1x128x128xf32, #tpu.memory_space<vmem>> -> memref<128x128xf32, #tpu.memory_space<vmem>>
    %dma_wait3A_428 = arith.constant 0 : i32
    %dma_wait3A_429 = tpu.memref_slice %arg5[%dma_wait3A_421, %dma_wait3A_428] : memref<200x128xi32, #tpu.memory_space<vmem>> -> memref<1x128xi32, #tpu.memory_space<vmem>>
    %dma_wait3A_430 = tpu.memref_squeeze %dma_wait3A_429 : memref<1x128xi32, #tpu.memory_space<vmem>> -> memref<128xi32, #tpu.memory_space<vmem>>
    %dma_wait3A_431 = arith.constant 0 : i32
    %dma_wait3A_432 = arith.constant 0 : i32
    %dma_wait3A_433 = tpu.memref_slice %arg3[%dma_wait3A_431, %dma_wait3A_432] : memref<100000x128xf32, #tpu.memory_space<hbm>> -> memref<100000x128xf32, #tpu.memory_space<hbm>>
    %dma_wait3A_434 = tpu.memref_slice %arg7[%dma_wait3A_423] : memref<4x!tpu.dma_semaphore, #tpu.memory_space<semaphore_mem>> -> memref<1x!tpu.dma_semaphore, #tpu.memory_space<semaphore_mem>>
    %dma_wait3A_435 = tpu.memref_squeeze %dma_wait3A_434 : memref<1x!tpu.dma_semaphore, #tpu.memory_space<semaphore_mem>> -> memref<!tpu.dma_semaphore, #tpu.memory_space<semaphore_mem>>
    tpu.wait_indirect_dma semaphore(%dma_wait3A_435 : memref<!tpu.dma_semaphore, #tpu.memory_space<semaphore_mem>>) src(%dma_wait3A_433 : memref<100000x128xf32, #tpu.memory_space<hbm>>) dst(%dma_wait3A_427 : memref<128x128xf32, #tpu.memory_space<vmem>>)
    %add3A_436 = arith.constant 25472 : i32
    %add3A_437 = arith.addi %mul3A_2, %add3A_436 : i32
    %dma_start3A_438 = arith.constant 3 : i32
    %dma_start3A_439 = arith.constant 3 : i32
    %dma_start3A_440 = arith.constant 0 : i32
    %dma_start3A_441 = arith.constant 0 : i32
    %dma_start3A_442 = tpu.memref_slice %arg6[%dma_start3A_438, %dma_start3A_440, %dma_start3A_441] : memref<4x128x128xf32, #tpu.memory_space<vmem>> -> memref<1x128x128xf32, #tpu.memory_space<vmem>>
    %dma_start3A_443 = tpu.memref_squeeze %dma_start3A_442 : memref<1x128x128xf32, #tpu.memory_space<vmem>> -> memref<128x128xf32, #tpu.memory_space<vmem>>
    %dma_start3A_444 = arith.constant 0 : i32
    %dma_start3A_445 = tpu.memref_slice %arg4[%add3A_437, %dma_start3A_444] : memref<819200x128xf32, #tpu.memory_space<hbm>> -> memref<128x128xf32, #tpu.memory_space<hbm>>
    %dma_start3A_446 = tpu.memref_slice %arg8[%dma_start3A_439] : memref<4x!tpu.dma_semaphore, #tpu.memory_space<semaphore_mem>> -> memref<1x!tpu.dma_semaphore, #tpu.memory_space<semaphore_mem>>
    %dma_start3A_447 = tpu.memref_squeeze %dma_start3A_446 : memref<1x!tpu.dma_semaphore, #tpu.memory_space<semaphore_mem>> -> memref<!tpu.dma_semaphore, #tpu.memory_space<semaphore_mem>>
    %dma_start3A_448 = arith.constant 0 : i32
    %dma_start3A_449 = tpu.memref_slice %arg4[%add3A_437, %dma_start3A_448] : memref<819200x128xf32, #tpu.memory_space<hbm>> -> memref<128x128xf32, #tpu.memory_space<hbm>>
    %dma_start3A_450 = arith.constant 0 : i32
    %dma_start3A_451 = arith.constant 0 : i32
    %dma_start3A_452 = tpu.memref_slice %arg6[%dma_start3A_438, %dma_start3A_450, %dma_start3A_451] : memref<4x128x128xf32, #tpu.memory_space<vmem>> -> memref<1x128x128xf32, #tpu.memory_space<vmem>>
    %dma_start3A_453 = tpu.memref_squeeze %dma_start3A_452 : memref<1x128x128xf32, #tpu.memory_space<vmem>> -> memref<128x128xf32, #tpu.memory_space<vmem>>
    tpu.enqueue_dma source(%dma_start3A_453 : memref<128x128xf32, #tpu.memory_space<vmem>>) target(%dma_start3A_449 : memref<128x128xf32, #tpu.memory_space<hbm>>) target_semaphore(%dma_start3A_447 : memref<!tpu.dma_semaphore, #tpu.memory_space<semaphore_mem>>)
    %dma_wait3A_454 = arith.constant 0 : i32
    %dma_wait3A_455 = arith.constant 0 : i32
    %dma_wait3A_456 = arith.constant 0 : i32
    %dma_wait3A_457 = arith.constant 0 : i32
    %dma_wait3A_458 = tpu.memref_slice %arg6[%dma_wait3A_454, %dma_wait3A_456, %dma_wait3A_457] : memref<4x128x128xf32, #tpu.memory_space<vmem>> -> memref<1x128x128xf32, #tpu.memory_space<vmem>>
    %dma_wait3A_459 = tpu.memref_squeeze %dma_wait3A_458 : memref<1x128x128xf32, #tpu.memory_space<vmem>> -> memref<128x128xf32, #tpu.memory_space<vmem>>
    %dma_wait3A_460 = arith.constant 0 : i32
    %dma_wait3A_461 = tpu.memref_slice %arg4[%mul3A_2, %dma_wait3A_460] : memref<819200x128xf32, #tpu.memory_space<hbm>> -> memref<128x128xf32, #tpu.memory_space<hbm>>
    %dma_wait3A_462 = tpu.memref_slice %arg8[%dma_wait3A_455] : memref<4x!tpu.dma_semaphore, #tpu.memory_space<semaphore_mem>> -> memref<1x!tpu.dma_semaphore, #tpu.memory_space<semaphore_mem>>
    %dma_wait3A_463 = tpu.memref_squeeze %dma_wait3A_462 : memref<1x!tpu.dma_semaphore, #tpu.memory_space<semaphore_mem>> -> memref<!tpu.dma_semaphore, #tpu.memory_space<semaphore_mem>>
    %dma_wait3A_464 = arith.constant 0 : i32
    %dma_wait3A_465 = tpu.memref_slice %arg4[%mul3A_2, %dma_wait3A_464] : memref<819200x128xf32, #tpu.memory_space<hbm>> -> memref<128x128xf32, #tpu.memory_space<hbm>>
    %dma_wait3A_466 = arith.constant 0 : i32
    %dma_wait3A_467 = arith.constant 0 : i32
    %dma_wait3A_468 = tpu.memref_slice %arg6[%dma_wait3A_454, %dma_wait3A_466, %dma_wait3A_467] : memref<4x128x128xf32, #tpu.memory_space<vmem>> -> memref<1x128x128xf32, #tpu.memory_space<vmem>>
    %dma_wait3A_469 = tpu.memref_squeeze %dma_wait3A_468 : memref<1x128x128xf32, #tpu.memory_space<vmem>> -> memref<128x128xf32, #tpu.memory_space<vmem>>
    tpu.wait_dma2 semaphore(%dma_wait3A_463 : memref<!tpu.dma_semaphore, #tpu.memory_space<semaphore_mem>>) src(%dma_wait3A_469 : memref<128x128xf32, #tpu.memory_space<vmem>>) dst(%dma_wait3A_465 : memref<128x128xf32, #tpu.memory_space<hbm>>)
    %dma_wait3A_470 = arith.constant 1 : i32
    %dma_wait3A_471 = arith.constant 1 : i32
    %dma_wait3A_472 = arith.constant 0 : i32
    %dma_wait3A_473 = arith.constant 0 : i32
    %dma_wait3A_474 = tpu.memref_slice %arg6[%dma_wait3A_470, %dma_wait3A_472, %dma_wait3A_473] : memref<4x128x128xf32, #tpu.memory_space<vmem>> -> memref<1x128x128xf32, #tpu.memory_space<vmem>>
    %dma_wait3A_475 = tpu.memref_squeeze %dma_wait3A_474 : memref<1x128x128xf32, #tpu.memory_space<vmem>> -> memref<128x128xf32, #tpu.memory_space<vmem>>
    %dma_wait3A_476 = arith.constant 0 : i32
    %dma_wait3A_477 = tpu.memref_slice %arg4[%mul3A_2, %dma_wait3A_476] : memref<819200x128xf32, #tpu.memory_space<hbm>> -> memref<128x128xf32, #tpu.memory_space<hbm>>
    %dma_wait3A_478 = tpu.memref_slice %arg8[%dma_wait3A_471] : memref<4x!tpu.dma_semaphore, #tpu.memory_space<semaphore_mem>> -> memref<1x!tpu.dma_semaphore, #tpu.memory_space<semaphore_mem>>
    %dma_wait3A_479 = tpu.memref_squeeze %dma_wait3A_478 : memref<1x!tpu.dma_semaphore, #tpu.memory_space<semaphore_mem>> -> memref<!tpu.dma_semaphore, #tpu.memory_space<semaphore_mem>>
    %dma_wait3A_480 = arith.constant 0 : i32
    %dma_wait3A_481 = tpu.memref_slice %arg4[%mul3A_2, %dma_wait3A_480] : memref<819200x128xf32, #tpu.memory_space<hbm>> -> memref<128x128xf32, #tpu.memory_space<hbm>>
    %dma_wait3A_482 = arith.constant 0 : i32
    %dma_wait3A_483 = arith.constant 0 : i32
    %dma_wait3A_484 = tpu.memref_slice %arg6[%dma_wait3A_470, %dma_wait3A_482, %dma_wait3A_483] : memref<4x128x128xf32, #tpu.memory_space<vmem>> -> memref<1x128x128xf32, #tpu.memory_space<vmem>>
    %dma_wait3A_485 = tpu.memref_squeeze %dma_wait3A_484 : memref<1x128x128xf32, #tpu.memory_space<vmem>> -> memref<128x128xf32, #tpu.memory_space<vmem>>
    tpu.wait_dma2 semaphore(%dma_wait3A_479 : memref<!tpu.dma_semaphore, #tpu.memory_space<semaphore_mem>>) src(%dma_wait3A_485 : memref<128x128xf32, #tpu.memory_space<vmem>>) dst(%dma_wait3A_481 : memref<128x128xf32, #tpu.memory_space<hbm>>)
    %dma_wait3A_486 = arith.constant 2 : i32
    %dma_wait3A_487 = arith.constant 2 : i32
    %dma_wait3A_488 = arith.constant 0 : i32
    %dma_wait3A_489 = arith.constant 0 : i32
    %dma_wait3A_490 = tpu.memref_slice %arg6[%dma_wait3A_486, %dma_wait3A_488, %dma_wait3A_489] : memref<4x128x128xf32, #tpu.memory_space<vmem>> -> memref<1x128x128xf32, #tpu.memory_space<vmem>>
    %dma_wait3A_491 = tpu.memref_squeeze %dma_wait3A_490 : memref<1x128x128xf32, #tpu.memory_space<vmem>> -> memref<128x128xf32, #tpu.memory_space<vmem>>
    %dma_wait3A_492 = arith.constant 0 : i32
    %dma_wait3A_493 = tpu.memref_slice %arg4[%mul3A_2, %dma_wait3A_492] : memref<819200x128xf32, #tpu.memory_space<hbm>> -> memref<128x128xf32, #tpu.memory_space<hbm>>
    %dma_wait3A_494 = tpu.memref_slice %arg8[%dma_wait3A_487] : memref<4x!tpu.dma_semaphore, #tpu.memory_space<semaphore_mem>> -> memref<1x!tpu.dma_semaphore, #tpu.memory_space<semaphore_mem>>
    %dma_wait3A_495 = tpu.memref_squeeze %dma_wait3A_494 : memref<1x!tpu.dma_semaphore, #tpu.memory_space<semaphore_mem>> -> memref<!tpu.dma_semaphore, #tpu.memory_space<semaphore_mem>>
    %dma_wait3A_496 = arith.constant 0 : i32
    %dma_wait3A_497 = tpu.memref_slice %arg4[%mul3A_2, %dma_wait3A_496] : memref<819200x128xf32, #tpu.memory_space<hbm>> -> memref<128x128xf32, #tpu.memory_space<hbm>>
    %dma_wait3A_498 = arith.constant 0 : i32
    %dma_wait3A_499 = arith.constant 0 : i32
    %dma_wait3A_500 = tpu.memref_slice %arg6[%dma_wait3A_486, %dma_wait3A_498, %dma_wait3A_499] : memref<4x128x128xf32, #tpu.memory_space<vmem>> -> memref<1x128x128xf32, #tpu.memory_space<vmem>>
    %dma_wait3A_501 = tpu.memref_squeeze %dma_wait3A_500 : memref<1x128x128xf32, #tpu.memory_space<vmem>> -> memref<128x128xf32, #tpu.memory_space<vmem>>
    tpu.wait_dma2 semaphore(%dma_wait3A_495 : memref<!tpu.dma_semaphore, #tpu.memory_space<semaphore_mem>>) src(%dma_wait3A_501 : memref<128x128xf32, #tpu.memory_space<vmem>>) dst(%dma_wait3A_497 : memref<128x128xf32, #tpu.memory_space<hbm>>)
    %dma_wait3A_502 = arith.constant 3 : i32
    %dma_wait3A_503 = arith.constant 3 : i32
    %dma_wait3A_504 = arith.constant 0 : i32
    %dma_wait3A_505 = arith.constant 0 : i32
    %dma_wait3A_506 = tpu.memref_slice %arg6[%dma_wait3A_502, %dma_wait3A_504, %dma_wait3A_505] : memref<4x128x128xf32, #tpu.memory_space<vmem>> -> memref<1x128x128xf32, #tpu.memory_space<vmem>>
    %dma_wait3A_507 = tpu.memref_squeeze %dma_wait3A_506 : memref<1x128x128xf32, #tpu.memory_space<vmem>> -> memref<128x128xf32, #tpu.memory_space<vmem>>
    %dma_wait3A_508 = arith.constant 0 : i32
    %dma_wait3A_509 = tpu.memref_slice %arg4[%mul3A_2, %dma_wait3A_508] : memref<819200x128xf32, #tpu.memory_space<hbm>> -> memref<128x128xf32, #tpu.memory_space<hbm>>
    %dma_wait3A_510 = tpu.memref_slice %arg8[%dma_wait3A_503] : memref<4x!tpu.dma_semaphore, #tpu.memory_space<semaphore_mem>> -> memref<1x!tpu.dma_semaphore, #tpu.memory_space<semaphore_mem>>
    %dma_wait3A_511 = tpu.memref_squeeze %dma_wait3A_510 : memref<1x!tpu.dma_semaphore, #tpu.memory_space<semaphore_mem>> -> memref<!tpu.dma_semaphore, #tpu.memory_space<semaphore_mem>>
    %dma_wait3A_512 = arith.constant 0 : i32
    %dma_wait3A_513 = tpu.memref_slice %arg4[%mul3A_2, %dma_wait3A_512] : memref<819200x128xf32, #tpu.memory_space<hbm>> -> memref<128x128xf32, #tpu.memory_space<hbm>>
    %dma_wait3A_514 = arith.constant 0 : i32
    %dma_wait3A_515 = arith.constant 0 : i32
    %dma_wait3A_516 = tpu.memref_slice %arg6[%dma_wait3A_502, %dma_wait3A_514, %dma_wait3A_515] : memref<4x128x128xf32, #tpu.memory_space<vmem>> -> memref<1x128x128xf32, #tpu.memory_space<vmem>>
    %dma_wait3A_517 = tpu.memref_squeeze %dma_wait3A_516 : memref<1x128x128xf32, #tpu.memory_space<vmem>> -> memref<128x128xf32, #tpu.memory_space<vmem>>
    tpu.wait_dma2 semaphore(%dma_wait3A_511 : memref<!tpu.dma_semaphore, #tpu.memory_space<semaphore_mem>>) src(%dma_wait3A_517 : memref<128x128xf32, #tpu.memory_space<vmem>>) dst(%dma_wait3A_513 : memref<128x128xf32, #tpu.memory_space<hbm>>)
    return
  }
}

module attributes {stable_mosaic.version = 14 : i64} {
  func.func @_scale_body(%arg0: i32, %arg1: memref<10000x128xf32, #tpu.memory_space<vmem>>, %arg2: memref<10000x128xf32, #tpu.memory_space<vmem>>) attributes {dimension_semantics = [#tpu.dimension_semantics<arbitrary>], iteration_bounds = array<i64: 10>, scalar_prefetch = 0 : i64, scratch_operands = 0 : i64, tpu.core_type = #tpu.core_type<tc>, window_params = [{transform_indices = @transform_0, window_bounds = array<i64: 10000, 128>}, {transform_indices = @transform_1, window_bounds = array<i64: 10000, 128>}]} {
    %get3A = arith.constant 0 : index
    %get3A_0 = arith.constant 0 : index
    %get3A_1 = vector.load %arg1[%get3A, %get3A_0] : memref<10000x128xf32, #tpu.memory_space<vmem>>, vector<10000x128xf32>
    %mul3A = arith.constant 11.3137083 : f32
    %mul3A_2 = vector.broadcast %mul3A : f32 to vector<10000x128xf32>
    %mul3A_3 = arith.mulf %get3A_1, %mul3A_2 : vector<10000x128xf32>
    %swap3A = arith.constant 0 : index
    %swap3A_4 = arith.constant 0 : index
    %swap3A_5 = vector.load %arg2[%swap3A, %swap3A_4] : memref<10000x128xf32, #tpu.memory_space<vmem>>, vector<10000x128xf32>
    tpu.vector_store %arg2[%swap3A, %swap3A_4], %mul3A_3 {strides = array<i32>} : memref<10000x128xf32, #tpu.memory_space<vmem>>, vector<10000x128xf32>,
    return
  }
  func.func @transform_0(%arg0: i32) -> (i32, i32) {
    %c0_i32 = arith.constant 0 : i32
    %c0_i32_0 = arith.constant 0 : i32
    return %arg0, %c0_i32 : i32, i32
  }
  func.func @transform_1(%arg0: i32) -> (i32, i32) {
    %c0_i32 = arith.constant 0 : i32
    %c0_i32_0 = arith.constant 0 : i32
    return %arg0, %c0_i32 : i32, i32
  }
}

</mosaic_0001>

<sc_bundles>
// kernel: kernel.4.cloned.1.call-start
scs
__scs_entry_jumppad:
0x0: {  	(pc) =	sbr.rel $0x88, $3  }
0x1: {  	(tag) =	ssettag $0x0;
	lr =	simm.s32 $0x1  }
0x2: {  	[smem:$0x3F9F] =	sst lr;
	_ =	strace $0xD0000000  }
0x3: {  	_ = 	snop  }
0x4: {  	_ = 	snop  }
0x5: {  	_ = 	snop  }
0x6: {  	_ = 	snop  }
0x7: {  	_ = 	snop  }
__scs_overlays_trampoline_lowered:
0x8: {  	[smem:$0x3FAE] =	sst s0  }
0x9: {  	[smem:$0x3FAF] =	sst s1  }
0xa: {  	[smem:$0x3FB0] =	sst s2  }
0xb: {  	[smem:$0x3FB1] =	sst s3  }
0xc: {  	[smem:$0x3FB2] =	sst s4  }
0xd: {  	[smem:$0x3FB3] =	sst s5  }
0xe: {  	[smem:$0x3FB4] =	sst s6  }
0xf: {  	[smem:$0x3FB5] =	sst s7  }
0x10: {  	[smem:$0x3FB6] =	sst s8  }
0x11: {  	[smem:$0x3FB7] =	sst s9;
	s0 =	simm.s32 @!p0 $0x0  }
0x12: {  	s1 =	sld [smem:$0x3F9D];
	s0 =	simm.s32 @p0 $0x1  }
0x13: {  	[smem:$0x3FB8] =	sst s0;
	s0 =	simm.s32 @!p1 $0x0  }
0x14: {  	s2 =	sld [smem:$0x3F9C];
	s0 =	simm.s32 @p1 $0x1  }
0x15: {  	[smem:$0x3FB9] =	sst s0;
	s0 =	simm.s32 @!p2 $0x0  }
0x16: {  	s3 =	sld [smem:$0x3FDB];
	s0 =	simm.s32 @p2 $0x1  }
0x17: {  	s4 =	simm.s32 $0x1BF5;
	[smem:$0x3FBB] =	sst s0  }
0x18: {  	s0 =	sld [smem:$0x3F9E];
	_ =	swait.ge [sflag:s4], $0x0  }
0x19: {  	s7 =	sld [smem:$0x3F9F]  }
0x1a: {  	s8 =	sadd.s32 $0xFFFFE003, lr  }
0x1b: {  	s9 =	sadd.s32 $0xFFFFFEF7, lr;
	s5 =	simm.s32 $0xFFFFFFFF;
	p2 =	slt.u32 s8, $0xFFFFF086  }
0x1c: {  	p1 =	slt.u32 s9, $0xF7A;
	s5 =	simm.s32 @!p2 $0x0  }
0x1d: {  	s5 =	simm.s32 @p1 $0x1;
	p0 =	seq.s32 s7, s2  }
0x1e: {  	s7 =	smul.u32 @!p0 $0xF7A, s2;
	p2 =	seq.s32 @!p0 s5, $0x0  }
0x1f: {  	s9 =	smul.u32 $0xF7A, s1;
	s8 =	simm.s32 @!p0 $0x1BF5;
	p2 =	por !p2, p0  }
0x20: {  	[sflag:s8] =	ssyncset.s32 @!p0 $0xFFFFF086;
	s6 =	sadd.s32 @!p0 s3, s7;
	s7 =	simm.s32 @!p0 $0x108  }
0x21: {  	s3 =	sadd.s32 s3, s9;
	s6 =	sadd.s32 @!p0 $0x88, s6;
	s7 =	simm.s32 @p2 $0x1082  }
0x22: {  	[simem:s7], [sflag:s8] =	dma.local @!p0 [hbm:s6], $0xF7A  }
0x23: {  	s9 =	sor.u32 $0xD0000000, s2;
	s6 =	simm.s32 $0x108;
	_ =	swait.ge @!p0 [sflag:s8], $0x0  }
0x24: {  	s3 =	sadd.s32 $0x88, s3;
	s6 =	simm.s32 @!p1 $0x1082;
	[sflag:s4] =	ssyncset.s32 $0xFFFFF086  }
0x25: {  	[simem:s6], [sflag:s4] =	dma.local [hbm:s3], $0xF7A  }
0x26: {  	[smem:$0x3F9F] =	sst s1;
	(tag) =	ssettag s2;
	_ =	strace s9  }
0x27: {  	s1 =	sld [smem:$0x3FAF]  }
0x28: {  	s2 =	sld [smem:$0x3FB0]  }
0x29: {  	s4 =	sld [smem:$0x3FB2]  }
0x2a: {  	p0 =	seq.s32 s5, $0x0;
	s5 =	sld [smem:$0x3FB3]  }
0x2b: {  	s6 =	sld [smem:$0x3FB4]  }
0x2c: {  	s7 =	sld [smem:$0x3FB5]  }
0x2d: {  	s3 =	simm.s32 $0x108;
	s8 =	sld [smem:$0x3FB6]  }
0x2e: {  	s3 =	simm.s32 @!p0 $0x1082;
	s9 =	sld [smem:$0x3FB7]  }
0x2f: {  	lr =	sadd.s32 s0, s3;
	s0 =	sld [smem:$0x3FAE]  }
0x30: {  	s3 =	sld [smem:$0x3FB1]  }
0x31: {  	[smem:$0x3FBA] =	sst s10  }
0x32: {  	s10 =	sld [smem:$0x3FB8];
	_ =	sdelay $0x3  }
0x33: {  	p0 =	seq.s32 s10, $0x1;
	s10 =	sld [smem:$0x3FBA];
	_ =	sdelay $0x3  }
0x34: {  	[smem:$0x3FBA] =	sst s10  }
0x35: {  	s10 =	sld [smem:$0x3FB9];
	_ =	sdelay $0x3  }
0x36: {  	p1 =	seq.s32 s10, $0x1;
	s10 =	sld [smem:$0x3FBA];
	_ =	sdelay $0x3  }
0x37: {  	[smem:$0x3FBA] =	sst s10  }
0x38: {  	s10 =	sld [smem:$0x3FBB]  }
0x39: {  	_ = 	snop;
	(pc) =	sbr.ind lr, $3  }
0x3a: {  	_ = 	snop  }
0x3b: {  	_ = 	snop  }
0x3c: {  	p2 =	seq.s32 s10, $0x1;
	s10 =	sld [smem:$0x3FBA]  }
0x3d: {  	_ =	shalt  }
0x3e: {  	_ =	shalt  }
0x3f: {  	_ =	shalt  }
0x40: {  	_ =	shalt  }
0x41: {  	_ =	shalt  }
0x42: {  	_ =	shalt  }
0x43: {  	_ =	shalt  }
0x44: {  	_ =	shalt  }
0x45: {  	_ =	shalt  }
0x46: {  	_ =	shalt  }
0x47: {  	_ =	shalt  }
0x48: {  	_ =	shalt  }
0x49: {  	_ =	shalt  }
0x4a: {  	_ =	shalt  }
0x4b: {  	_ =	shalt  }
0x4c: {  	_ =	shalt  }
0x4d: {  	_ =	shalt  }
0x4e: {  	_ =	shalt  }
0x4f: {  	_ =	shalt  }
0x50: {  	_ =	shalt  }
0x51: {  	_ =	shalt  }
0x52: {  	_ =	shalt  }
0x53: {  	_ =	shalt  }
0x54: {  	_ =	shalt  }
0x55: {  	_ =	shalt  }
0x56: {  	_ =	shalt  }
0x57: {  	_ =	shalt  }
0x58: {  	_ =	shalt  }
0x59: {  	_ =	shalt  }
0x5a: {  	_ =	shalt  }
0x5b: {  	_ =	shalt  }
0x5c: {  	_ =	shalt  }
0x5d: {  	_ =	shalt  }
0x5e: {  	_ =	shalt  }
0x5f: {  	_ =	shalt  }
0x60: {  	_ =	shalt  }
0x61: {  	_ =	shalt  }
0x62: {  	_ =	shalt  }
0x63: {  	_ =	shalt  }
0x64: {  	_ =	shalt  }
0x65: {  	_ =	shalt  }
0x66: {  	_ =	shalt  }
0x67: {  	_ =	shalt  }
0x68: {  	_ =	shalt  }
0x69: {  	_ =	shalt  }
0x6a: {  	_ =	shalt  }
0x6b: {  	_ =	shalt  }
0x6c: {  	_ =	shalt  }
0x6d: {  	_ =	shalt  }
0x6e: {  	_ =	shalt  }
0x6f: {  	_ =	shalt  }
0x70: {  	_ =	shalt  }
0x71: {  	_ =	shalt  }
0x72: {  	_ =	shalt  }
0x73: {  	_ =	shalt  }
0x74: {  	_ =	shalt  }
0x75: {  	_ =	shalt  }
0x76: {  	_ =	shalt  }
0x77: {  	_ =	shalt  }
0x78: {  	_ =	shalt  }
0x79: {  	_ =	shalt  }
0x7a: {  	_ =	shalt  }
0x7b: {  	_ =	shalt  }
0x7c: {  	_ =	shalt  }
0x7d: {  	_ =	shalt  }
0x7e: {  	_ =	shalt  }
0x7f: {  	_ =	shalt  }
0x80: {  	_ =	shalt  }
0x81: {  	_ =	shalt  }
0x82: {  	_ =	shalt  }
0x83: {  	_ =	shalt  }
0x84: {  	_ =	shalt  }
0x85: {  	_ =	shalt  }
0x86: {  	_ =	shalt  }
0x87: {  	_ =	shalt  }
.Lfunc_end0:
.L_simem_size_0:
called_computation_lowered:
.L_overlay_start_0:
0x88: {  	s2 =	sld [smem:$0x3FD9]  }
0x89: {  	s3 =	sld [smem:$0x3FFE];
	_ =	sdelay $0x1  }
0x8a: {  	s1 =	srdreg.scid  }
0x8b: {  	s0 =	sand.u32 $0x1, s1  }
0x8c: {  	s17 =	sshll.u32 s0, $0xA;
	s2 =	sadd.s32 s3, s2  }
0x8d: {  	s2 =	sadd.s32 s2, s17  }
0x8e: {  	[smem:$0x3FC6] =	sst s2  }
0x8f: {  	_ = 	snop  }
0x90: {  	s2 =	sld [smem:$0x3FD0];
	(tm) =	ssettm $0x1  }
0x91: {  	s18 =	sld [smem:$0x3FFB];
	_ =	sdelay $0x3  }
0x92: {  	_ =	strace s18  }
0x93: {  	s3 =	sld [smem:$0x3FFC];
	_ =	sdelay $0x3  }
0x94: {  	_ =	strace s3  }
0x95: {  	s3 =	sld [smem:$0x3FFD];
	_ =	sdelay $0x3  }
0x96: {  	_ =	strace s3  }
0x97: {  	_ =	strace $0x8FFFFFFF  }
0x98: {  	s19 =	sld [smem:$0x3FDB];
	_ =	sdelay $0x1  }
0x99: {  	s4 =	simm.s32 $_scs_section_size  }
0x9a: {  	s5 =	simm.s32 $_size__tile_overlayer_lowered;
	s6 =	simm.s32 $_tile_overlayer_lowered  }
0x9b: {  	s22 =	simm.s32 $0x1BFF;
	s21 =	sshll.u32 s6, $0x1;
	s3 =	sadd.s32 s4, s19  }
0x9c: {  	s7 =	simm.s32 $0x0;
	s20 =	sshll.u32 s5, $0x1;
	s5 =	sadd.s32 s21, s3  }
0x9d: {  	[timem:s7], [sflag:s22] =	dma.local [hbm:s5], s20  }
0x9e: {  	_ =	swait.ge [sflag:s22], s20  }
0x9f: {  	s4 =	ssub.s32 $0x0, s20;
	[sflag:s22] =	ssyncset.done $0x0  }
0xa0: {  	[sflag:s22] =	ssyncadd.s32 s4;
	_ =	sdelay $0x1  }
0xa1: {  	s23 =	simm.s32 $0x1B8B  }
0xa2: {  	_ =	swait.ge [sflag:s23], $0x1  }
0xa3: {  	[sflag:s23] =	ssyncset.done $0x0  }
0xa4: {  	s25 =	simm.s32 $0x1B8E;
	s24 =	sld [smem:$0x3FFE];
	[sflag:s23] =	ssyncadd.s32 $0xFFFFFFFF  }
0xa5: {  	s26 =	simm.s32 $execute0_lowered;
	[smem:$0x3FD2] =	sst s25  }
0xa6: {  	s5 =	sshll.u32 s26, $0x1;
	_ =	strace $0x80000046;
	[dreg:$0x1] =	wrdreg $0xFFFFFFFF  }
0xa7: {  	s28 =	simm.s32 $_size_execute0_lowered;
	s3 =	sadd.s32 s3, s5;
	[dreg:$0x0] =	wrdreg $0x0  }
0xa8: {  	s5 =	sshll.u32 s28, $0x1;
	[dreg:$0x2] =	wrdreg s3  }
0xa9: {  	[dreg:$0x3] =	wrdreg s5  }
0xaa: {  	[dreg:$0x4] =	wrdreg $0xC0  }
0xab: {  	_ =	task [dreg:s7], $0x5FFFF  }
0xac: {  	[dreg:$0x1] =	wrdreg $0xFFFFFFFF  }
0xad: {  	[dreg:$0x0] =	wrdreg $0x60  }
0xae: {  	[dreg:$0x2] =	wrdreg s24  }
0xaf: {  	[dreg:$0x3] =	wrdreg s2  }
0xb0: {  	[dreg:$0x4] =	wrdreg $0x9  }
0xb1: {  	_ =	task.clear_ibuf [dreg:s7], $0x5FFFF;
	_ =	strace $0x90000046  }
0xb2: {  	s29 =	simm.s32 $0x9;
	_ =	strace $0x80000048  }
0xb3: {  	_ =	swait.ge [sflag:s29], $0x1  }
0xb4: {  	[sflag:s29] =	ssyncadd.s32 $0xFFFFFFFF  }
0xb5: {  	_ =	strace $0x90000048  }
0xb6: {  	_ =	sfence  }
0xb7: {  	s30 =	sld [smem:$0x0];
	_ =	sdelay $0x2  }
0xb8: {  	s31 =	sshll.u32 s1, $0xD;
	s1 =	sshrl.u32 s1, $0x2  }
0xb9: {  	s3 =	sand.u32 $0x4000, s31;
	s1 =	sadd.s32 s1, s30  }
0xba: {  	s0 =	sor.u32 s3, s0;
	s1 =	sshll.u32 s1, $0x11  }
0xbb: {  	s0 =	sor.u32 s1, s0  }
0xbc: {  	s0 =	sadd.s32 $0x8F2B, s0  }
0xbd: {  	[sflag:s0] =	ssyncadd.remote.s32 $0x1  }
0xbe: {  	_ =	sfence.sel $0xFFFF  }
0xbf: {  	[dreg:$0x0] =	wrdreg $0xFFFFFFFF;
	(pc) =	sbr.abs _section_cstart, $3  }
0xc0: {  	[dreg:$0x1] =	wrdreg $0xFFFFFFFF  }
0xc1: {  	_ =	task.clear_ibuf [dreg:s7], $0x2FFFF;
	_ =	strace $0x9FFFFFFF  }
0xc2: {  	(tm) =	ssettm $0x7FFFFFFF  }
0xc3: {  	_ =	shalt  }
tec
execute0_lowered:
.L_overlay_start_1:
0x0: {  	(tag) =	ssettag $0x1  }
0x1: {  	s0 =	rddreg [dreg:$0x0];
	s1 =	srdreg.scid  }
0x2: {  	s14 =	stileid.u32;
	s4 =	rddreg [dreg:$0x1]  }
0x3: {  	s2 =	simm.s32 $0x0;
	s17 =	simm.s32 $0x80;
	s18 =	simm.s32 $0x6400  }
0x4: {  	s19 =	simm.s32 $0xA400;
	s21 =	simm.s32 $0xE400;
	s22 =	simm.s32 $0x1  }
0x5: {  	s24 =	simm.s32 $0x12400;
	s29 =	simm.s32 $0x3;
	s11 =	smul.u32 $0x640000, s14  }
0x6: {  	s1 =	sand.u32 $0x1, s1;
	s3 =	sshll.u32 s14, $0x1;
	s14 =	smul.u32 $0xC8000, s14  }
0x7: {  	s30 =	simm.s32 $0x6;
	s20 =	simm.s32 $0x8;
	s13 =	smul.u32 $0x320000, s1  }
0x8: {  	s3 =	sor.u32 s1, s3;
	s6 =	ssub.s32 $0x2, s1;
	s1 =	smul.u32 $0x64000, s1  }
0x9: {  	s31 =	simm.s32 $0x0;
	[smem:$0x7FF] =	sst s2;
	s5 =	smul.u32 $0x6400, s3  }
0xa: {  	_ =	strace $0x80000047;
	s7 =	smul.u32 $0x64000, s3;
	s8 =	sshrl.u32 s6, $0x1  }
0xb: {  	s9 =	smul.u32 $0x320000, s3;
	s3 =	sadd.s32 $0x19400, s0;
	s16 =	sadd.s32 s14, s4  }
0xc: {  	s25 =	ssub.s32 s6, s8;
	s13 =	sadd.s32 s13, s11;
	s5 =	sshrl.u32 s5, $0x3  }
0xd: {  	s26 =	sshrl.u32 s9, $0x3;
	s13 =	sor.u32 $0x10000, s13;
	s5 =	sadd.s32 s5, s0  }
0xe: {  	s12 =	sadd.s32 s4, s26;
	s15 =	sshrl.u32 s13, $0x3;
	s13 =	smax.u32 s25, $0x1  }
0xf: {  	s25 =	simm.s32 $0x2;
	s26 =	simm.s32 $0x5;
	s0 =	simm.s32 $0x7  }
0x10: {  	s5 =	sadd.s32 $0x400, s5;
	s9 =	sadd.s32 $0x62000, s12;
	s10 =	sadd.s32 $0x62800, s12  }
0x11: {  	s11 =	sadd.s32 $0x63000, s12;
	s12 =	sadd.s32 $0x63800, s12;
	s14 =	sadd.s32 s15, s4  }
0x12: {  	s15 =	sadd.s32 s1, s16;
	[dreg:$0x3] =	wrdreg s5;
	s5 =	sadd.s32 s4, s7  }
0x13: {  	s16 =	simm.s32 $0x9;
	s1 =	simm.s32 $0x4;
	s28 =	sadd.s32 $0x800, s5  }
0x14: {  	s7 =	sadd.s32 $0x1000, s5;
	s8 =	sadd.s32 $0x1800, s5;
	[dreg:$0x4] =	wrdreg s28  }
.LBB2_1:
0x15: {  	s4 =	rddreg [dreg:$0x3]  }
0x16: {  	[tilespmem:s2], [sflag:$0x9] =	stream.linear.gather [hbm4b:s4+s2], $0x6400, $0x38;
	[tilespmem:$0x16400] =	vst v63  }
0x17: {  	_ =	swait.ge [sflag:s16], $0x6400  }
0x18: {  	[sflag:s16] =	ssyncset.done $0x0  }
0x19: {  	[sflag:s16] =	ssyncadd.s32 $0xFFFF9C00  }
0x1a: {  	[tilespmem:s18], [sflag:$0x1] =	stream.indirect.gather [hbm4b:s3+s17], $0x80, s2, s17, $0xb8;
	[tilespmem:$0x16400] =	vst v63  }
0x1b: {  	_ = 	snop  }
0x1c: {  	[tilespmem:s19], [sflag:$0x2] =	stream.indirect.gather [hbm4b:s3+s17], $0x80, s17, s17, $0xb8;
	[tilespmem:$0x16400] =	vst v63  }
0x1d: {  	s6 =	simm.s32 $0x100  }
0x1e: {  	[tilespmem:s21], [sflag:$0x3] =	stream.indirect.gather [hbm4b:s3+s17], $0x80, s6, s17, $0xb8;
	[tilespmem:$0x16400] =	vst v63  }
0x1f: {  	_ =	swait.ge [sflag:s22], $0x4000  }
0x20: {  	[sflag:s22] =	ssyncset.done $0x0  }
0x21: {  	[sflag:s22] =	ssyncadd.s32 $0xFFFFC000  }
0x22: {  	[hbm4b:s5+s2] =	stream.linear.scatter [tilespmem:s18], [sflag:$0x5], $0x4000, $0x38;
	[tilespmem:$0x16400] =	vst v63  }
0x23: {  	s23 =	simm.s32 $0x180  }
0x24: {  	[tilespmem:s24], [sflag:$0x4] =	stream.indirect.gather [hbm4b:s3+s17], $0x80, s23, s17, $0xb8;
	[tilespmem:$0x16400] =	vst v63  }
0x25: {  	_ =	swait.ge [sflag:s25], $0x4000  }
0x26: {  	[sflag:s25] =	ssyncset.done $0x0  }
0x27: {  	s6 =	rddreg [dreg:$0x4];
	[sflag:s25] =	ssyncadd.s32 $0xFFFFC000  }
0x28: {  	[hbm4b:s6+s2] =	stream.linear.scatter [tilespmem:s19], [sflag:$0x6], $0x4000, $0x38;
	[tilespmem:$0x16400] =	vst v63  }
0x29: {  	_ =	swait.ge [sflag:s26], $0x4000  }
0x2a: {  	[sflag:s26] =	ssyncset.done $0x0  }
0x2b: {  	s23 =	simm.s32 $0x200;
	[sflag:s26] =	ssyncadd.s32 $0xFFFFC000  }
0x2c: {  	[tilespmem:s18], [sflag:$0x1] =	stream.indirect.gather [hbm4b:s3+s17], $0x80, s23, s17, $0xb8;
	[tilespmem:$0x16400] =	vst v63  }
0x2d: {  	_ =	swait.ge [sflag:s29], $0x4000  }
0x2e: {  	[sflag:s29] =	ssyncset.done $0x0  }
0x2f: {  	[sflag:s29] =	ssyncadd.s32 $0xFFFFC000  }
0x30: {  	[hbm4b:s7+s2] =	stream.linear.scatter [tilespmem:s21], [sflag:$0x7], $0x4000, $0x38;
	[tilespmem:$0x16400] =	vst v63  }
0x31: {  	_ =	swait.ge [sflag:s30], $0x4000  }
0x32: {  	[sflag:s30] =	ssyncset.done $0x0  }
0x33: {  	s6 =	simm.s32 $0x280;
	[sflag:s30] =	ssyncadd.s32 $0xFFFFC000  }
0x34: {  	[tilespmem:s19], [sflag:$0x2] =	stream.indirect.gather [hbm4b:s3+s17], $0x80, s6, s17, $0xb8;
	[tilespmem:$0x16400] =	vst v63  }
0x35: {  	_ =	swait.ge [sflag:s1], $0x4000  }
0x36: {  	[sflag:s1] =	ssyncset.done $0x0  }
0x37: {  	[sflag:s1] =	ssyncadd.s32 $0xFFFFC000  }
0x38: {  	[hbm4b:s8+s2] =	stream.linear.scatter [tilespmem:s24], [sflag:$0x8], $0x4000, $0x38;
	[tilespmem:$0x16400] =	vst v63  }
0x39: {  	_ =	swait.ge [sflag:s0], $0x4000  }
0x3a: {  	[sflag:s0] =	ssyncset.done $0x0  }
0x3b: {  	s23 =	simm.s32 $0x300;
	[sflag:s0] =	ssyncadd.s32 $0xFFFFC000  }
0x3c: {  	[tilespmem:s21], [sflag:$0x3] =	stream.indirect.gather [hbm4b:s3+s17], $0x80, s23, s17, $0xb8;
	[tilespmem:$0x16400] =	vst v63  }
0x3d: {  	_ =	swait.ge [sflag:s22], $0x4000  }
0x3e: {  	[sflag:s22] =	ssyncset.done $0x0  }
0x3f: {  	s6 =	sadd.s32 $0x0, s14;
	[sflag:s22] =	ssyncadd.s32 $0xFFFFC000  }
0x40: {  	[hbm4b:s6+s2] =	stream.linear.scatter [tilespmem:s18], [sflag:$0x5], $0x4000, $0x38;
	[tilespmem:$0x16400] =	vst v63  }
0x41: {  	_ =	swait.ge [sflag:s20], $0x4000  }
0x42: {  	[sflag:s20] =	ssyncset.done $0x0  }
0x43: {  	s23 =	simm.s32 $0x380;
	[sflag:s20] =	ssyncadd.s32 $0xFFFFC000  }
0x44: {  	[tilespmem:s24], [sflag:$0x4] =	stream.indirect.gather [hbm4b:s3+s17], $0x80, s23, s17, $0xb8;
	[tilespmem:$0x16400] =	vst v63  }
0x45: {  	_ =	swait.ge [sflag:s25], $0x4000  }
0x46: {  	s4 =	sadd.s32 $0x0, s15;
	[sflag:s25] =	ssyncset.done $0x0  }
0x47: {  	s23 =	sadd.s32 $0x2800, s4;
	[sflag:s25] =	ssyncadd.s32 $0xFFFFC000  }
0x48: {  	[hbm4b:s23+s2] =	stream.linear.scatter [tilespmem:s19], [sflag:$0x6], $0x4000, $0x38;
	[tilespmem:$0x16400] =	vst v63  }
0x49: {  	_ =	swait.ge [sflag:s26], $0x4000  }
0x4a: {  	[sflag:s26] =	ssyncset.done $0x0  }
0x4b: {  	s6 =	simm.s32 $0x400;
	[sflag:s26] =	ssyncadd.s32 $0xFFFFC000  }
0x4c: {  	[tilespmem:s18], [sflag:$0x1] =	stream.indirect.gather [hbm4b:s3+s17], $0x80, s6, s17, $0xb8;
	[tilespmem:$0x16400] =	vst v63  }
0x4d: {  	_ =	swait.ge [sflag:s29], $0x4000  }
0x4e: {  	[sflag:s29] =	ssyncset.done $0x0  }
0x4f: {  	s6 =	sadd.s32 $0x3000, s4;
	[sflag:s29] =	ssyncadd.s32 $0xFFFFC000  }
0x50: {  	[hbm4b:s6+s2] =	stream.linear.scatter [tilespmem:s21], [sflag:$0x7], $0x4000, $0x38;
	[tilespmem:$0x16400] =	vst v63  }
0x51: {  	_ =	swait.ge [sflag:s30], $0x4000  }
0x52: {  	[sflag:s30] =	ssyncset.done $0x0  }
0x53: {  	s6 =	simm.s32 $0x480;
	[sflag:s30] =	ssyncadd.s32 $0xFFFFC000  }
0x54: {  	[tilespmem:s19], [sflag:$0x2] =	stream.indirect.gather [hbm4b:s3+s17], $0x80, s6, s17, $0xb8;
	[tilespmem:$0x16400] =	vst v63  }
0x55: {  	_ =	swait.ge [sflag:s1], $0x4000  }
0x56: {  	s28 =	simm.s32 $0x680;
	[sflag:s1] =	ssyncset.done $0x0  }
0x57: {  	s23 =	simm.s32 $0x2000;
	s4 =	sadd.s32 $0x3800, s4;
	[sflag:s1] =	ssyncadd.s32 $0xFFFFC000  }
.LBB2_2:
0x58: {  	[hbm4b:s4+s2] =	stream.linear.scatter [tilespmem:s24], [sflag:$0x8], $0x4000, $0x38;
	[tilespmem:$0x16400] =	vst v63  }
0x59: {  	s4 =	smov.u32 s23  }
0x5a: {  	p0 =	sne.s32 s23, $0x5E000;
	s23 =	sadd.s32 $0x2000, s23;
	_ =	swait.ge [sflag:s0], $0x4000  }
0x5b: {  	[sflag:s0] =	ssyncset.done $0x0  }
0x5c: {  	s6 =	sadd.s32 $0xFFFFFE80, s28;
	[sflag:s0] =	ssyncadd.s32 $0xFFFFC000  }
0x5d: {  	[tilespmem:s21], [sflag:$0x3] =	stream.indirect.gather [hbm4b:s3+s17], $0x80, s6, s17, $0xb8;
	[tilespmem:$0x16400] =	vst v63  }
0x5e: {  	_ =	swait.ge [sflag:s22], $0x4000  }
0x5f: {  	[sflag:s22] =	ssyncset.done $0x0  }
0x60: {  	s6 =	sadd.s32 s4, s14;
	[sflag:s22] =	ssyncadd.s32 $0xFFFFC000  }
0x61: {  	[hbm4b:s6+s2] =	stream.linear.scatter [tilespmem:s18], [sflag:$0x5], $0x4000, $0x38;
	[tilespmem:$0x16400] =	vst v63  }
0x62: {  	_ =	swait.ge [sflag:s20], $0x4000  }
0x63: {  	[sflag:s20] =	ssyncset.done $0x0  }
0x64: {  	s6 =	sadd.s32 $0xFFFFFF00, s28;
	[sflag:s20] =	ssyncadd.s32 $0xFFFFC000  }
0x65: {  	[tilespmem:s24], [sflag:$0x4] =	stream.indirect.gather [hbm4b:s3+s17], $0x80, s6, s17, $0xb8;
	[tilespmem:$0x16400] =	vst v63  }
0x66: {  	_ =	swait.ge [sflag:s25], $0x4000  }
0x67: {  	s4 =	sadd.s32 s4, s15;
	[sflag:s25] =	ssyncset.done $0x0  }
0x68: {  	s6 =	sadd.s32 $0x2800, s4;
	[sflag:s25] =	ssyncadd.s32 $0xFFFFC000  }
0x69: {  	[hbm4b:s6+s2] =	stream.linear.scatter [tilespmem:s19], [sflag:$0x6], $0x4000, $0x38;
	[tilespmem:$0x16400] =	vst v63  }
0x6a: {  	_ =	swait.ge [sflag:s26], $0x4000  }
0x6b: {  	[sflag:s26] =	ssyncset.done $0x0  }
0x6c: {  	s6 =	sadd.s32 $0xFFFFFF80, s28;
	[sflag:s26] =	ssyncadd.s32 $0xFFFFC000  }
0x6d: {  	[tilespmem:s18], [sflag:$0x1] =	stream.indirect.gather [hbm4b:s3+s17], $0x80, s6, s17, $0xb8;
	[tilespmem:$0x16400] =	vst v63  }
0x6e: {  	_ =	swait.ge [sflag:s29], $0x4000  }
0x6f: {  	[sflag:s29] =	ssyncset.done $0x0  }
0x70: {  	s6 =	sadd.s32 $0x3000, s4;
	[sflag:s29] =	ssyncadd.s32 $0xFFFFC000  }
0x71: {  	[hbm4b:s6+s2] =	stream.linear.scatter [tilespmem:s21], [sflag:$0x7], $0x4000, $0x38;
	[tilespmem:$0x16400] =	vst v63  }
0x72: {  	_ =	swait.ge [sflag:s30], $0x4000  }
0x73: {  	[sflag:s30] =	ssyncset.done $0x0  }
.Ltmp0:
0x74: {  	[sflag:s30] =	ssyncadd.s32 $0xFFFFC000;
	(pc) =	sbr.rel @p0 .LBB2_2-.Ltmp0, $4  }
0x75: {  	[tilespmem:s19], [sflag:$0x2] =	stream.indirect.gather [hbm4b:s3+s17], $0x80, s28, s17, $0xb8;
	[tilespmem:$0x16400] =	vst v63  }
0x76: {  	_ =	swait.ge [sflag:s1], $0x4000  }
0x77: {  	[sflag:s1] =	ssyncset.done $0x0  }
0x78: {  	s4 =	sadd.s32 $0x3800, s4;
	s28 =	sadd.s32 $0x200, s28;
	[sflag:s1] =	ssyncadd.s32 $0xFFFFC000  }
0x79: {  	[hbm4b:s4+s2] =	stream.linear.scatter [tilespmem:s24], [sflag:$0x8], $0x4000, $0x38;
	[tilespmem:$0x16400] =	vst v63  }
0x7a: {  	_ =	swait.ge [sflag:s0], $0x4000  }
0x7b: {  	[sflag:s0] =	ssyncset.done $0x0  }
0x7c: {  	s23 =	simm.s32 $0x6300;
	[sflag:s0] =	ssyncadd.s32 $0xFFFFC000  }
0x7d: {  	[tilespmem:s21], [sflag:$0x3] =	stream.indirect.gather [hbm4b:s3+s17], $0x80, s23, s17, $0xb8;
	[tilespmem:$0x16400] =	vst v63  }
0x7e: {  	_ =	swait.ge [sflag:s22], $0x4000  }
0x7f: {  	[sflag:s22] =	ssyncset.done $0x0  }
0x80: {  	[sflag:s22] =	ssyncadd.s32 $0xFFFFC000  }
0x81: {  	[hbm4b:s9+s2] =	stream.linear.scatter [tilespmem:s18], [sflag:$0x5], $0x4000, $0x38;
	[tilespmem:$0x16400] =	vst v63  }
0x82: {  	_ =	swait.ge [sflag:s20], $0x4000  }
0x83: {  	[sflag:s20] =	ssyncset.done $0x0  }
0x84: {  	s28 =	simm.s32 $0x6380;
	[sflag:s20] =	ssyncadd.s32 $0xFFFFC000  }
0x85: {  	[tilespmem:s24], [sflag:$0x4] =	stream.indirect.gather [hbm4b:s3+s17], $0x80, s28, s17, $0xb8;
	[tilespmem:$0x16400] =	vst v63  }
0x86: {  	_ =	swait.ge [sflag:s25], $0x4000  }
0x87: {  	[sflag:s25] =	ssyncset.done $0x0  }
0x88: {  	[sflag:s25] =	ssyncadd.s32 $0xFFFFC000  }
0x89: {  	[hbm4b:s10+s2] =	stream.linear.scatter [tilespmem:s19], [sflag:$0x6], $0x4000, $0x38;
	[tilespmem:$0x16400] =	vst v63  }
0x8a: {  	_ =	swait.ge [sflag:s29], $0x4000  }
0x8b: {  	[sflag:s29] =	ssyncset.done $0x0  }
0x8c: {  	[sflag:s29] =	ssyncadd.s32 $0xFFFFC000  }
0x8d: {  	[hbm4b:s11+s2] =	stream.linear.scatter [tilespmem:s21], [sflag:$0x7], $0x4000, $0x38;
	[tilespmem:$0x16400] =	vst v63  }
0x8e: {  	_ =	swait.ge [sflag:s1], $0x4000  }
0x8f: {  	[sflag:s1] =	ssyncset.done $0x0  }
0x90: {  	[sflag:s1] =	ssyncadd.s32 $0xFFFFC000  }
0x91: {  	[hbm4b:s12+s2] =	stream.linear.scatter [tilespmem:s24], [sflag:$0x8], $0x4000, $0x38;
	[tilespmem:$0x16400] =	vst v63  }
0x92: {  	_ =	swait.ge [sflag:s26], $0x4000  }
0x93: {  	[sflag:s26] =	ssyncset.done $0x0  }
0x94: {  	[sflag:s26] =	ssyncadd.s32 $0xFFFFC000  }
0x95: {  	_ =	swait.ge [sflag:s30], $0x4000  }
0x96: {  	[sflag:s30] =	ssyncset.done $0x0  }
0x97: {  	s31 =	sadd.s32 $0x1, s31;
	[sflag:s30] =	ssyncadd.s32 $0xFFFFC000  }
0x98: {  	p0 =	sne.s32 s31, s13;
	_ =	swait.ge [sflag:s0], $0x4000  }
.Ltmp1:
0x99: {  	[sflag:s0] =	ssyncset.done $0x0;
	(pc) =	sbr.rel @p0 .LBB2_1-.Ltmp1, $4  }
0x9a: {  	[sflag:s0] =	ssyncadd.s32 $0xFFFFC000  }
0x9b: {  	_ =	swait.ge [sflag:s20], $0x4000  }
0x9c: {  	[sflag:s20] =	ssyncset.done $0x0  }
0x9d: {  	[sflag:s20] =	ssyncadd.s32 $0xFFFFC000  }
0x9e: {  	_ =	sfence.sel $0x180000  }
0x9f: {  	[bflag:$0x0] =	sbarrier.arrive $0xFFFF  }
0xa0: {  	_ =	strace $0x90000047  }
0xa1: {  	s0 =	stileid.u32;
	[bflag:$0x2] =	sbarrier.arrive $0xFFFF  }
0xa2: {  	p0 =	sne.s32 s0, $0x0;
	s0 =	rddreg [dreg:$0x2]  }
0xa3: {  	s0 =	sadd.s32 @!p0 $0x100000, s0  }
0xa4: {  	[sflag:s0] =	ssyncadd.tile.s32 @!p0 $0x1;
	_ =	shalt  }
.Lfunc_end2:
_tile_overlayer_lowered:
.L_overlay_start_2:
0xa5: {  	(tag) =	ssettag $0x2  }
0xa6: {  	s0 =	rddreg [dreg:$0x0];
	s2 =	stileid.u32  }
0xa7: {  	s1 =	rddreg [dreg:$0x1];
	p0 =	sne.s32 s2, $0x0  }
0xa8: {  	s3 =	rddreg [dreg:$0x2];
	[bflag:$0x3] =	sbarrier.arrive $0xFFFF;
	s2 =	simm.s32 @!p0 $0x1C09  }
0xa9: {  	[timem:s3], [sflag:s2] =	dma.local @!p0 [hbm:s0], s1  }
0xaa: {  	s0 =	simm.s32 @!p0 $0x9  }
0xab: {  	_ =	swait.ge @!p0 [sflag:s0], s1  }
0xac: {  	s1 =	ssub.s32 @!p0 $0x0, s1;
	[sflag:s0] =	ssyncset.done @!p0 $0x0  }
0xad: {  	[sflag:s0] =	ssyncadd.s32 @!p0 s1  }
0xae: {  	[bflag:$0x3] =	sbarrier.arrive $0xFFFF  }
0xaf: {  	_ =	shalt  }

</sc_bundles>
